<compile_context>
chip_gen: v7x
topology: tpu7x:2x2x1
jax: 0.10.2.dev20260603
libtpu: 0.0.44.dev20260713+nightly
codegen_flags: <defaults>
</compile_context>

<pallas_src>
import functools

import jax
import jax.numpy as jnp
from jax import lax
from jax.experimental import pallas as pl
from jax.experimental.pallas import tpu as pltpu
from jax.experimental.pallas import tpu_sc as plsc

L = 15
SCALE_BOUND = 0.11
LIKELIHOOD_BOUND = 1e-09
_INV_SQRT2 = 0.7071067811865476

_NC, _NS, _LN = 2, 16, 16
_NW = _NC * _NS

_P = 0.3275911
_A1 = 0.254829592
_A2 = -0.284496736
_A3 = 1.421413741
_A4 = -1.453152027
_A5 = 1.061405429

SC_ROWS = 512


def _erf16(z):
    az = jnp.abs(z)
    t = 1.0 / (1.0 + _P * az)
    poly = ((((_A5 * t + _A4) * t + _A3) * t + _A2) * t + _A1) * t
    e = jnp.exp(-(az * az))
    r = 1.0 - poly * e
    return jnp.where(z < 0.0, -r, r)


def _sc_kernel_fn(n_total, ch, cb_hbm, wb_hbm, x_hbm, s_hbm, m_hbm,
                  out_hbm, lik_hbm, cb_v, wb_v, xv, sv, mv, ov, lv):
    per_w = n_total // _NW
    nchunk = per_w // ch
    wid = lax.axis_index("s") * _NC + lax.axis_index("c")
    base = wid * per_w

    pltpu.sync_copy(cb_hbm, cb_v)
    pltpu.sync_copy(wb_hbm, wb_v)
    cs = [cb_v[i, :] for i in range(L)]
    ws = [wb_v[i, :] for i in range(L)]
    neghalf = wb_v[L, :]
    n2beta = cb_v[L, :]

    for chunk in range(nchunk):
        off = base + chunk * ch
        pltpu.sync_copy(x_hbm.at[pl.ds(off, ch)], xv)
        pltpu.sync_copy(s_hbm.at[pl.ds(off, ch)], sv)
        pltpu.sync_copy(m_hbm.at[pl.ds(off, ch)], mv)

        def body(j, _):
            sl = pl.ds(j * _LN, _LN)
            x = xv[sl]
            s = n2beta * x
            acc = neghalf
            for i in range(L):
                e = jnp.exp(jnp.minimum(s + cs[i], 85.0))
                acc = acc + ws[i] / (1.0 + e)
            ov[sl] = acc + mv[sl]
            sb = jnp.maximum(sv[sl], SCALE_BOUND)
            rk = _INV_SQRT2 / sb
            zu = (0.5 - acc) * rk
            zl = (-0.5 - acc) * rk
            lik = 0.5 * (_erf16(zu) - _erf16(zl))
            lv[sl] = jnp.maximum(lik, LIKELIHOOD_BOUND)
            return 0

        lax.fori_loop(0, ch // _LN, body, 0)

        pltpu.sync_copy(ov, out_hbm.at[pl.ds(off, ch)])
        pltpu.sync_copy(lv, lik_hbm.at[pl.ds(off, ch)])


def _tc_body(w2_ref, nbb_ref, x_ref, s_ref, m_ref, out_ref, lik_ref):
    x = x_ref[...]
    bx = x * w2_ref[L]
    acc = w2_ref[0] * jnp.tanh(bx + nbb_ref[0])
    for i in range(1, L):
        acc = acc + w2_ref[i] * jnp.tanh(bx + nbb_ref[i])
    out_ref[...] = acc + m_ref[...]
    sb = jnp.maximum(s_ref[...], SCALE_BOUND)
    rk = _INV_SQRT2 / sb
    zu = (0.5 - acc) * rk
    zl = (-0.5 - acc) * rk
    lik = 0.5 * (jax.lax.erf(zu) - jax.lax.erf(zl))
    lik_ref[...] = jnp.maximum(lik, LIKELIHOOD_BOUND)


def kernel(inputs, scales, means, w, b, beta):
    B, C, H, W = inputs.shape
    R = B * H * W
    N_sc = SC_ROWS * C
    CH = N_sc // _NW

    x2 = jnp.transpose(inputs, (0, 2, 3, 1)).reshape(R, C)
    s2 = jnp.transpose(scales, (0, 2, 3, 1)).reshape(R, C)
    m2 = jnp.transpose(means, (0, 2, 3, 1)).reshape(R, C)
    x1 = x2.reshape(R * C)
    s1 = s2.reshape(R * C)
    m1 = m2.reshape(R * C)

    c = (2.0 * beta * b).astype(jnp.float32)
    cb = jnp.concatenate([c, (-2.0 * beta).reshape(1)])
    wb = jnp.concatenate([w.astype(jnp.float32), (-0.5 * jnp.sum(w)).reshape(1)])
    cb16 = jnp.broadcast_to(cb[:, None], (16, 16)).astype(jnp.float32)
    wb16 = jnp.broadcast_to(wb[:, None], (16, 16)).astype(jnp.float32)

    mesh = plsc.VectorSubcoreMesh(core_axis_name="c", subcore_axis_name="s")
    fn = functools.partial(_sc_kernel_fn, N_sc, CH)
    out_sc, lik_sc = pl.kernel(
        fn,
        mesh=mesh,
        out_type=[
            jax.ShapeDtypeStruct((N_sc,), jnp.float32),
            jax.ShapeDtypeStruct((N_sc,), jnp.float32),
        ],
        scratch_types=[
            pltpu.VMEM((16, 16), jnp.float32),
            pltpu.VMEM((16, 16), jnp.float32),
            pltpu.VMEM((CH,), jnp.float32),
            pltpu.VMEM((CH,), jnp.float32),
            pltpu.VMEM((CH,), jnp.float32),
            pltpu.VMEM((CH,), jnp.float32),
            pltpu.VMEM((CH,), jnp.float32),
        ],
    )(cb16, wb16, x1, s1, m1)

    w2 = jnp.concatenate([w * 0.5, beta.reshape(1)]).astype(jnp.float32)
    nbb = (-beta * b).astype(jnp.float32)
    br = 512
    ngrid = (R - SC_ROWS) // br
    in_spec = pl.BlockSpec((br, C), lambda i: (i + SC_ROWS // br, 0))
    out_spec = pl.BlockSpec((br, C), lambda i: (i + SC_ROWS // br, 0))
    out2, lik2 = pl.pallas_call(
        _tc_body,
        grid=(ngrid,),
        in_specs=[
            pl.BlockSpec(memory_space=pltpu.SMEM),
            pl.BlockSpec(memory_space=pltpu.SMEM),
            in_spec,
            in_spec,
            in_spec,
        ],
        out_specs=[out_spec, out_spec],
        out_shape=[
            jax.ShapeDtypeStruct((R, C), jnp.float32),
            jax.ShapeDtypeStruct((R, C), jnp.float32),
        ],
    )(w2, nbb, x2, s2, m2)

    out2 = lax.dynamic_update_slice(out2, out_sc.reshape(SC_ROWS, C), (0, 0))
    lik2 = lax.dynamic_update_slice(lik2, lik_sc.reshape(SC_ROWS, C), (0, 0))

    out = jnp.transpose(out2.reshape(B, H, W, C), (0, 3, 1, 2))
    lik = jnp.transpose(lik2.reshape(B, H, W, C), (0, 3, 1, 2))
    return out, lik

# --- scband reference (transcript-rebuilt; emitter-appended) ---
"""Pipeline reference for scband-gaussian-conditional-stanh-45157286150660 (READ-ONLY COPY).

The authoritative reference and input builder live on the scoring server;
editing this copy changes nothing except your own understanding.
"""

import jax, jax.numpy as jnp
import numpy as np

L = 15
BETA = 10.0
SCALE_BOUND = 0.11
LIKELIHOOD_BOUND = 1e-09


def setup_inputs(seed: int = 0) -> dict:
    key = jax.random.key(seed)
    k1, k2, k3, k4, k5 = jax.random.split(key, 5)
    B, C, H, W = 4, 384, 32, 32
    inputs = jax.random.normal(k1, (B, C, H, W), dtype=jnp.float32)
    scales = jax.random.uniform(k2, (B, C, H, W), dtype=jnp.float32)
    means = jax.random.normal(k3, (B, C, H, W), dtype=jnp.float32) * 0.1
    # learned sum-of-tanh (StanH) quantizer parameters
    w = jnp.abs(jax.random.normal(k4, (L,), dtype=jnp.float32)) + 0.5
    b = jnp.sort(jax.random.normal(k5, (L,), dtype=jnp.float32) * 3.0)
    beta = jnp.asarray(BETA, dtype=jnp.float32)
    return {"inputs": inputs, "scales": scales, "means": means, "w": w, "b": b, "beta": beta}


def _stanh(x, w, b, beta):
    # sum-of-tanh soft quantizer: phi(x) = sum_i (w_i / 2) * tanh(beta * (x - b_i))
    return jnp.sum((w / 2.0) * jnp.tanh(beta * (x[..., None] - b)), axis=-1)


def _standardized_cumulative(x):
    const = -(2 ** -0.5)
    return 0.5 * jax.lax.erfc(const * x)


def reference(inputs, scales, means, w, b, beta):
    # training-mode quantize. Faithful to the torch code: after the (discarded)
    # mean subtraction, stanh is applied to the RAW inputs, then means are added back.
    # The permute/reshape to (1,1,-1) is a no-op for this elementwise transform.
    outputs = _stanh(inputs, w, b, beta)
    outputs = outputs + means
    # Gaussian conditional likelihood under the quantized latent
    scales_b = jnp.maximum(scales, SCALE_BOUND)
    values = outputs - means
    upper = _standardized_cumulative((0.5 - values) / scales_b)
    lower = _standardized_cumulative((-0.5 - values) / scales_b)
    likelihood = upper - lower
    # likelihood lower bound
    likelihood = jnp.maximum(likelihood, LIKELIHOOD_BOUND)
    return outputs, likelihood

if __name__ == "__main__":
    import jax
    _d = setup_inputs()
    print(jax.jit(kernel)(*tuple(_d.values())))

</pallas_src>

<mosaic_0001>
#map = affine_map<(d0, d1) -> (0, 0)>
#map1 = affine_map<(d0, d1) -> (0)>
module attributes {stable_mosaic.version = 14 : i64} {
  func.func @_sc_kernel_fn(%arg0: i32, %arg1: i32, %arg2: memref<16x16xf32, #tpu.memory_space<hbm>>, %arg3: memref<16x16xf32, #tpu.memory_space<hbm>>, %arg4: memref<1572864xf32, #tpu.memory_space<hbm>>, %arg5: memref<1572864xf32, #tpu.memory_space<hbm>>, %arg6: memref<1572864xf32, #tpu.memory_space<hbm>>, %arg7: memref<196608xf32, #tpu.memory_space<hbm>>, %arg8: memref<196608xf32, #tpu.memory_space<hbm>>, %arg9: memref<16x16xf32, #tpu.memory_space<vmem>>, %arg10: memref<16x16xf32, #tpu.memory_space<vmem>>, %arg11: memref<6144xf32, #tpu.memory_space<vmem>>, %arg12: memref<6144xf32, #tpu.memory_space<vmem>>, %arg13: memref<6144xf32, #tpu.memory_space<vmem>>, %arg14: memref<6144xf32, #tpu.memory_space<vmem>>, %arg15: memref<6144xf32, #tpu.memory_space<vmem>>) attributes {dimension_semantics = [#tpu.dimension_semantics<core_parallel>, #tpu.dimension_semantics<subcore_parallel>], iteration_bounds = array<i64: 2, 16>, scalar_prefetch = 0 : i64, scratch_operands = 7 : i64, tpu.core_type = #tpu.core_type<sc_vector_subcore>, window_params = [{transform_indices = #map}, {transform_indices = #map}, {transform_indices = #map1}, {transform_indices = #map1}, {transform_indices = #map1}, {transform_indices = #map1}, {transform_indices = #map1}]} {
    %mul3A = arith.constant 2 : i32
    %mul3A_0 = arith.muli %arg1, %mul3A : i32
    %add3A = arith.addi %mul3A_0, %arg0 : i32
    %mul3A_1 = arith.constant 6144 : i32
    %mul3A_2 = arith.muli %add3A, %mul3A_1 : i32
    "tpu.region"() ({
      %run_scoped3A = tpu.sem_alloc : memref<!tpu.dma_semaphore, #tpu.memory_space<semaphore_mem>>
      tpu.enqueue_dma source(%arg2 : memref<16x16xf32, #tpu.memory_space<hbm>>) target(%arg9 : memref<16x16xf32, #tpu.memory_space<vmem>>) target_semaphore(%run_scoped3A : memref<!tpu.dma_semaphore, #tpu.memory_space<semaphore_mem>>)
      tpu.wait_dma2 semaphore(%run_scoped3A : memref<!tpu.dma_semaphore, #tpu.memory_space<semaphore_mem>>) src(%arg2 : memref<16x16xf32, #tpu.memory_space<hbm>>) dst(%arg9 : memref<16x16xf32, #tpu.memory_space<vmem>>)
      tpu.yield
    }) : () -> ()
    "tpu.region"() ({
      %run_scoped3A = tpu.sem_alloc : memref<!tpu.dma_semaphore, #tpu.memory_space<semaphore_mem>>
      tpu.enqueue_dma source(%arg3 : memref<16x16xf32, #tpu.memory_space<hbm>>) target(%arg10 : memref<16x16xf32, #tpu.memory_space<vmem>>) target_semaphore(%run_scoped3A : memref<!tpu.dma_semaphore, #tpu.memory_space<semaphore_mem>>)
      tpu.wait_dma2 semaphore(%run_scoped3A : memref<!tpu.dma_semaphore, #tpu.memory_space<semaphore_mem>>) src(%arg3 : memref<16x16xf32, #tpu.memory_space<hbm>>) dst(%arg10 : memref<16x16xf32, #tpu.memory_space<vmem>>)
      tpu.yield
    }) : () -> ()
    %get3A = arith.constant 0 : i32
    %get3A_3 = arith.index_cast %get3A : i32 to index
    %get3A_4 = arith.constant 0 : index
    %get3A_5 = tpu.vector_load %arg9[%get3A_3, %get3A_4] {strides = array<i32>} : memref<16x16xf32, #tpu.memory_space<vmem>>, vector<1x16xf32>,
    %get3A_6 = vector.shape_cast %get3A_5 : vector<1x16xf32> to vector<16xf32>
    %get3A_7 = arith.constant 1 : i32
    %get3A_8 = arith.index_cast %get3A_7 : i32 to index
    %get3A_9 = arith.constant 0 : index
    %get3A_10 = tpu.vector_load %arg9[%get3A_8, %get3A_9] {strides = array<i32>} : memref<16x16xf32, #tpu.memory_space<vmem>>, vector<1x16xf32>,
    %get3A_11 = vector.shape_cast %get3A_10 : vector<1x16xf32> to vector<16xf32>
    %get3A_12 = arith.constant 2 : i32
    %get3A_13 = arith.index_cast %get3A_12 : i32 to index
    %get3A_14 = arith.constant 0 : index
    %get3A_15 = tpu.vector_load %arg9[%get3A_13, %get3A_14] {strides = array<i32>} : memref<16x16xf32, #tpu.memory_space<vmem>>, vector<1x16xf32>,
    %get3A_16 = vector.shape_cast %get3A_15 : vector<1x16xf32> to vector<16xf32>
    %get3A_17 = arith.constant 3 : i32
    %get3A_18 = arith.index_cast %get3A_17 : i32 to index
    %get3A_19 = arith.constant 0 : index
    %get3A_20 = tpu.vector_load %arg9[%get3A_18, %get3A_19] {strides = array<i32>} : memref<16x16xf32, #tpu.memory_space<vmem>>, vector<1x16xf32>,
    %get3A_21 = vector.shape_cast %get3A_20 : vector<1x16xf32> to vector<16xf32>
    %get3A_22 = arith.constant 4 : i32
    %get3A_23 = arith.index_cast %get3A_22 : i32 to index
    %get3A_24 = arith.constant 0 : index
    %get3A_25 = tpu.vector_load %arg9[%get3A_23, %get3A_24] {strides = array<i32>} : memref<16x16xf32, #tpu.memory_space<vmem>>, vector<1x16xf32>,
    %get3A_26 = vector.shape_cast %get3A_25 : vector<1x16xf32> to vector<16xf32>
    %get3A_27 = arith.constant 5 : i32
    %get3A_28 = arith.index_cast %get3A_27 : i32 to index
    %get3A_29 = arith.constant 0 : index
    %get3A_30 = tpu.vector_load %arg9[%get3A_28, %get3A_29] {strides = array<i32>} : memref<16x16xf32, #tpu.memory_space<vmem>>, vector<1x16xf32>,
    %get3A_31 = vector.shape_cast %get3A_30 : vector<1x16xf32> to vector<16xf32>
    %get3A_32 = arith.constant 6 : i32
    %get3A_33 = arith.index_cast %get3A_32 : i32 to index
    %get3A_34 = arith.constant 0 : index
    %get3A_35 = tpu.vector_load %arg9[%get3A_33, %get3A_34] {strides = array<i32>} : memref<16x16xf32, #tpu.memory_space<vmem>>, vector<1x16xf32>,
    %get3A_36 = vector.shape_cast %get3A_35 : vector<1x16xf32> to vector<16xf32>
    %get3A_37 = arith.constant 7 : i32
    %get3A_38 = arith.index_cast %get3A_37 : i32 to index
    %get3A_39 = arith.constant 0 : index
    %get3A_40 = tpu.vector_load %arg9[%get3A_38, %get3A_39] {strides = array<i32>} : memref<16x16xf32, #tpu.memory_space<vmem>>, vector<1x16xf32>,
    %get3A_41 = vector.shape_cast %get3A_40 : vector<1x16xf32> to vector<16xf32>
    %get3A_42 = arith.constant 8 : i32
    %get3A_43 = arith.index_cast %get3A_42 : i32 to index
    %get3A_44 = arith.constant 0 : index
    %get3A_45 = tpu.vector_load %arg9[%get3A_43, %get3A_44] {strides = array<i32>} : memref<16x16xf32, #tpu.memory_space<vmem>>, vector<1x16xf32>,
    %get3A_46 = vector.shape_cast %get3A_45 : vector<1x16xf32> to vector<16xf32>
    %get3A_47 = arith.constant 9 : i32
    %get3A_48 = arith.index_cast %get3A_47 : i32 to index
    %get3A_49 = arith.constant 0 : index
    %get3A_50 = tpu.vector_load %arg9[%get3A_48, %get3A_49] {strides = array<i32>} : memref<16x16xf32, #tpu.memory_space<vmem>>, vector<1x16xf32>,
    %get3A_51 = vector.shape_cast %get3A_50 : vector<1x16xf32> to vector<16xf32>
    %get3A_52 = arith.constant 10 : i32
    %get3A_53 = arith.index_cast %get3A_52 : i32 to index
    %get3A_54 = arith.constant 0 : index
    %get3A_55 = tpu.vector_load %arg9[%get3A_53, %get3A_54] {strides = array<i32>} : memref<16x16xf32, #tpu.memory_space<vmem>>, vector<1x16xf32>,
    %get3A_56 = vector.shape_cast %get3A_55 : vector<1x16xf32> to vector<16xf32>
    %get3A_57 = arith.constant 11 : i32
    %get3A_58 = arith.index_cast %get3A_57 : i32 to index
    %get3A_59 = arith.constant 0 : index
    %get3A_60 = tpu.vector_load %arg9[%get3A_58, %get3A_59] {strides = array<i32>} : memref<16x16xf32, #tpu.memory_space<vmem>>, vector<1x16xf32>,
    %get3A_61 = vector.shape_cast %get3A_60 : vector<1x16xf32> to vector<16xf32>
    %get3A_62 = arith.constant 12 : i32
    %get3A_63 = arith.index_cast %get3A_62 : i32 to index
    %get3A_64 = arith.constant 0 : index
    %get3A_65 = tpu.vector_load %arg9[%get3A_63, %get3A_64] {strides = array<i32>} : memref<16x16xf32, #tpu.memory_space<vmem>>, vector<1x16xf32>,
    %get3A_66 = vector.shape_cast %get3A_65 : vector<1x16xf32> to vector<16xf32>
    %get3A_67 = arith.constant 13 : i32
    %get3A_68 = arith.index_cast %get3A_67 : i32 to index
    %get3A_69 = arith.constant 0 : index
    %get3A_70 = tpu.vector_load %arg9[%get3A_68, %get3A_69] {strides = array<i32>} : memref<16x16xf32, #tpu.memory_space<vmem>>, vector<1x16xf32>,
    %get3A_71 = vector.shape_cast %get3A_70 : vector<1x16xf32> to vector<16xf32>
    %get3A_72 = arith.constant 14 : i32
    %get3A_73 = arith.index_cast %get3A_72 : i32 to index
    %get3A_74 = arith.constant 0 : index
    %get3A_75 = tpu.vector_load %arg9[%get3A_73, %get3A_74] {strides = array<i32>} : memref<16x16xf32, #tpu.memory_space<vmem>>, vector<1x16xf32>,
    %get3A_76 = vector.shape_cast %get3A_75 : vector<1x16xf32> to vector<16xf32>
    %get3A_77 = arith.constant 0 : i32
    %get3A_78 = arith.index_cast %get3A_77 : i32 to index
    %get3A_79 = arith.constant 0 : index
    %get3A_80 = tpu.vector_load %arg10[%get3A_78, %get3A_79] {strides = array<i32>} : memref<16x16xf32, #tpu.memory_space<vmem>>, vector<1x16xf32>,
    %get3A_81 = vector.shape_cast %get3A_80 : vector<1x16xf32> to vector<16xf32>
    %get3A_82 = arith.constant 1 : i32
    %get3A_83 = arith.index_cast %get3A_82 : i32 to index
    %get3A_84 = arith.constant 0 : index
    %get3A_85 = tpu.vector_load %arg10[%get3A_83, %get3A_84] {strides = array<i32>} : memref<16x16xf32, #tpu.memory_space<vmem>>, vector<1x16xf32>,
    %get3A_86 = vector.shape_cast %get3A_85 : vector<1x16xf32> to vector<16xf32>
    %get3A_87 = arith.constant 2 : i32
    %get3A_88 = arith.index_cast %get3A_87 : i32 to index
    %get3A_89 = arith.constant 0 : index
    %get3A_90 = tpu.vector_load %arg10[%get3A_88, %get3A_89] {strides = array<i32>} : memref<16x16xf32, #tpu.memory_space<vmem>>, vector<1x16xf32>,
    %get3A_91 = vector.shape_cast %get3A_90 : vector<1x16xf32> to vector<16xf32>
    %get3A_92 = arith.constant 3 : i32
    %get3A_93 = arith.index_cast %get3A_92 : i32 to index
    %get3A_94 = arith.constant 0 : index
    %get3A_95 = tpu.vector_load %arg10[%get3A_93, %get3A_94] {strides = array<i32>} : memref<16x16xf32, #tpu.memory_space<vmem>>, vector<1x16xf32>,
    %get3A_96 = vector.shape_cast %get3A_95 : vector<1x16xf32> to vector<16xf32>
    %get3A_97 = arith.constant 4 : i32
    %get3A_98 = arith.index_cast %get3A_97 : i32 to index
    %get3A_99 = arith.constant 0 : index
    %get3A_100 = tpu.vector_load %arg10[%get3A_98, %get3A_99] {strides = array<i32>} : memref<16x16xf32, #tpu.memory_space<vmem>>, vector<1x16xf32>,
    %get3A_101 = vector.shape_cast %get3A_100 : vector<1x16xf32> to vector<16xf32>
    %get3A_102 = arith.constant 5 : i32
    %get3A_103 = arith.index_cast %get3A_102 : i32 to index
    %get3A_104 = arith.constant 0 : index
    %get3A_105 = tpu.vector_load %arg10[%get3A_103, %get3A_104] {strides = array<i32>} : memref<16x16xf32, #tpu.memory_space<vmem>>, vector<1x16xf32>,
    %get3A_106 = vector.shape_cast %get3A_105 : vector<1x16xf32> to vector<16xf32>
    %get3A_107 = arith.constant 6 : i32
    %get3A_108 = arith.index_cast %get3A_107 : i32 to index
    %get3A_109 = arith.constant 0 : index
    %get3A_110 = tpu.vector_load %arg10[%get3A_108, %get3A_109] {strides = array<i32>} : memref<16x16xf32, #tpu.memory_space<vmem>>, vector<1x16xf32>,
    %get3A_111 = vector.shape_cast %get3A_110 : vector<1x16xf32> to vector<16xf32>
    %get3A_112 = arith.constant 7 : i32
    %get3A_113 = arith.index_cast %get3A_112 : i32 to index
    %get3A_114 = arith.constant 0 : index
    %get3A_115 = tpu.vector_load %arg10[%get3A_113, %get3A_114] {strides = array<i32>} : memref<16x16xf32, #tpu.memory_space<vmem>>, vector<1x16xf32>,
    %get3A_116 = vector.shape_cast %get3A_115 : vector<1x16xf32> to vector<16xf32>
    %get3A_117 = arith.constant 8 : i32
    %get3A_118 = arith.index_cast %get3A_117 : i32 to index
    %get3A_119 = arith.constant 0 : index
    %get3A_120 = tpu.vector_load %arg10[%get3A_118, %get3A_119] {strides = array<i32>} : memref<16x16xf32, #tpu.memory_space<vmem>>, vector<1x16xf32>,
    %get3A_121 = vector.shape_cast %get3A_120 : vector<1x16xf32> to vector<16xf32>
    %get3A_122 = arith.constant 9 : i32
    %get3A_123 = arith.index_cast %get3A_122 : i32 to index
    %get3A_124 = arith.constant 0 : index
    %get3A_125 = tpu.vector_load %arg10[%get3A_123, %get3A_124] {strides = array<i32>} : memref<16x16xf32, #tpu.memory_space<vmem>>, vector<1x16xf32>,
    %get3A_126 = vector.shape_cast %get3A_125 : vector<1x16xf32> to vector<16xf32>
    %get3A_127 = arith.constant 10 : i32
    %get3A_128 = arith.index_cast %get3A_127 : i32 to index
    %get3A_129 = arith.constant 0 : index
    %get3A_130 = tpu.vector_load %arg10[%get3A_128, %get3A_129] {strides = array<i32>} : memref<16x16xf32, #tpu.memory_space<vmem>>, vector<1x16xf32>,
    %get3A_131 = vector.shape_cast %get3A_130 : vector<1x16xf32> to vector<16xf32>
    %get3A_132 = arith.constant 11 : i32
    %get3A_133 = arith.index_cast %get3A_132 : i32 to index
    %get3A_134 = arith.constant 0 : index
    %get3A_135 = tpu.vector_load %arg10[%get3A_133, %get3A_134] {strides = array<i32>} : memref<16x16xf32, #tpu.memory_space<vmem>>, vector<1x16xf32>,
    %get3A_136 = vector.shape_cast %get3A_135 : vector<1x16xf32> to vector<16xf32>
    %get3A_137 = arith.constant 12 : i32
    %get3A_138 = arith.index_cast %get3A_137 : i32 to index
    %get3A_139 = arith.constant 0 : index
    %get3A_140 = tpu.vector_load %arg10[%get3A_138, %get3A_139] {strides = array<i32>} : memref<16x16xf32, #tpu.memory_space<vmem>>, vector<1x16xf32>,
    %get3A_141 = vector.shape_cast %get3A_140 : vector<1x16xf32> to vector<16xf32>
    %get3A_142 = arith.constant 13 : i32
    %get3A_143 = arith.index_cast %get3A_142 : i32 to index
    %get3A_144 = arith.constant 0 : index
    %get3A_145 = tpu.vector_load %arg10[%get3A_143, %get3A_144] {strides = array<i32>} : memref<16x16xf32, #tpu.memory_space<vmem>>, vector<1x16xf32>,
    %get3A_146 = vector.shape_cast %get3A_145 : vector<1x16xf32> to vector<16xf32>
    %get3A_147 = arith.constant 14 : i32
    %get3A_148 = arith.index_cast %get3A_147 : i32 to index
    %get3A_149 = arith.constant 0 : index
    %get3A_150 = tpu.vector_load %arg10[%get3A_148, %get3A_149] {strides = array<i32>} : memref<16x16xf32, #tpu.memory_space<vmem>>, vector<1x16xf32>,
    %get3A_151 = vector.shape_cast %get3A_150 : vector<1x16xf32> to vector<16xf32>
    %get3A_152 = arith.constant 15 : i32
    %get3A_153 = arith.index_cast %get3A_152 : i32 to index
    %get3A_154 = arith.constant 0 : index
    %get3A_155 = tpu.vector_load %arg10[%get3A_153, %get3A_154] {strides = array<i32>} : memref<16x16xf32, #tpu.memory_space<vmem>>, vector<1x16xf32>,
    %get3A_156 = vector.shape_cast %get3A_155 : vector<1x16xf32> to vector<16xf32>
    %get3A_157 = arith.constant 15 : i32
    %get3A_158 = arith.index_cast %get3A_157 : i32 to index
    %get3A_159 = arith.constant 0 : index
    %get3A_160 = tpu.vector_load %arg9[%get3A_158, %get3A_159] {strides = array<i32>} : memref<16x16xf32, #tpu.memory_space<vmem>>, vector<1x16xf32>,
    %get3A_161 = vector.shape_cast %get3A_160 : vector<1x16xf32> to vector<16xf32>
    %add3A_162 = arith.constant 0 : i32
    %add3A_163 = arith.addi %mul3A_2, %add3A_162 : i32
    "tpu.region"() ({
      %run_scoped3A = tpu.sem_alloc : memref<!tpu.dma_semaphore, #tpu.memory_space<semaphore_mem>>
      %dma_start3A = tpu.memref_slice %arg4[%add3A_163] : memref<1572864xf32, #tpu.memory_space<hbm>> -> memref<6144xf32, #tpu.memory_space<hbm>>
      %dma_start3A_170 = tpu.memref_slice %arg4[%add3A_163] : memref<1572864xf32, #tpu.memory_space<hbm>> -> memref<6144xf32, #tpu.memory_space<hbm>>
      tpu.enqueue_dma source(%dma_start3A_170 : memref<6144xf32, #tpu.memory_space<hbm>>) target(%arg11 : memref<6144xf32, #tpu.memory_space<vmem>>) target_semaphore(%run_scoped3A : memref<!tpu.dma_semaphore, #tpu.memory_space<semaphore_mem>>)
      %dma_wait3A = tpu.memref_slice %arg4[%add3A_163] : memref<1572864xf32, #tpu.memory_space<hbm>> -> memref<6144xf32, #tpu.memory_space<hbm>>
      %dma_wait3A_171 = tpu.memref_slice %arg4[%add3A_163] : memref<1572864xf32, #tpu.memory_space<hbm>> -> memref<6144xf32, #tpu.memory_space<hbm>>
      tpu.wait_dma2 semaphore(%run_scoped3A : memref<!tpu.dma_semaphore, #tpu.memory_space<semaphore_mem>>) src(%dma_wait3A_171 : memref<6144xf32, #tpu.memory_space<hbm>>) dst(%arg11 : memref<6144xf32, #tpu.memory_space<vmem>>)
      tpu.yield
    }) : () -> ()
    "tpu.region"() ({
      %run_scoped3A = tpu.sem_alloc : memref<!tpu.dma_semaphore, #tpu.memory_space<semaphore_mem>>
      %dma_start3A = tpu.memref_slice %arg5[%add3A_163] : memref<1572864xf32, #tpu.memory_space<hbm>> -> memref<6144xf32, #tpu.memory_space<hbm>>
      %dma_start3A_170 = tpu.memref_slice %arg5[%add3A_163] : memref<1572864xf32, #tpu.memory_space<hbm>> -> memref<6144xf32, #tpu.memory_space<hbm>>
      tpu.enqueue_dma source(%dma_start3A_170 : memref<6144xf32, #tpu.memory_space<hbm>>) target(%arg12 : memref<6144xf32, #tpu.memory_space<vmem>>) target_semaphore(%run_scoped3A : memref<!tpu.dma_semaphore, #tpu.memory_space<semaphore_mem>>)
      %dma_wait3A = tpu.memref_slice %arg5[%add3A_163] : memref<1572864xf32, #tpu.memory_space<hbm>> -> memref<6144xf32, #tpu.memory_space<hbm>>
      %dma_wait3A_171 = tpu.memref_slice %arg5[%add3A_163] : memref<1572864xf32, #tpu.memory_space<hbm>> -> memref<6144xf32, #tpu.memory_space<hbm>>
      tpu.wait_dma2 semaphore(%run_scoped3A : memref<!tpu.dma_semaphore, #tpu.memory_space<semaphore_mem>>) src(%dma_wait3A_171 : memref<6144xf32, #tpu.memory_space<hbm>>) dst(%arg12 : memref<6144xf32, #tpu.memory_space<vmem>>)
      tpu.yield
    }) : () -> ()
    "tpu.region"() ({
      %run_scoped3A = tpu.sem_alloc : memref<!tpu.dma_semaphore, #tpu.memory_space<semaphore_mem>>
      %dma_start3A = tpu.memref_slice %arg6[%add3A_163] : memref<1572864xf32, #tpu.memory_space<hbm>> -> memref<6144xf32, #tpu.memory_space<hbm>>
      %dma_start3A_170 = tpu.memref_slice %arg6[%add3A_163] : memref<1572864xf32, #tpu.memory_space<hbm>> -> memref<6144xf32, #tpu.memory_space<hbm>>
      tpu.enqueue_dma source(%dma_start3A_170 : memref<6144xf32, #tpu.memory_space<hbm>>) target(%arg13 : memref<6144xf32, #tpu.memory_space<vmem>>) target_semaphore(%run_scoped3A : memref<!tpu.dma_semaphore, #tpu.memory_space<semaphore_mem>>)
      %dma_wait3A = tpu.memref_slice %arg6[%add3A_163] : memref<1572864xf32, #tpu.memory_space<hbm>> -> memref<6144xf32, #tpu.memory_space<hbm>>
      %dma_wait3A_171 = tpu.memref_slice %arg6[%add3A_163] : memref<1572864xf32, #tpu.memory_space<hbm>> -> memref<6144xf32, #tpu.memory_space<hbm>>
      tpu.wait_dma2 semaphore(%run_scoped3A : memref<!tpu.dma_semaphore, #tpu.memory_space<semaphore_mem>>) src(%dma_wait3A_171 : memref<6144xf32, #tpu.memory_space<hbm>>) dst(%arg13 : memref<6144xf32, #tpu.memory_space<vmem>>)
      tpu.yield
    }) : () -> ()
    %scan3A = arith.constant 0 : i32
    %scan3A_164 = arith.constant 0 : i32
    %scan3A_165 = arith.constant 384 : i32
    %scan3A_166 = arith.addi %scan3A_164, %scan3A_165 : i32
    %scan3A_167 = arith.constant 1 : i32
    %scan3A_168 = scf.for %scan3A_170 = %scan3A_164 to %scan3A_166 step %scan3A_167 iter_args(%scan3A_171 = %scan3A) -> (i32)  : i32 {
      %mul3A_172 = arith.constant 16 : i32
      %mul3A_173 = arith.muli %scan3A_170, %mul3A_172 : i32
      %get3A_174 = arith.index_cast %mul3A_173 : i32 to index
      %get3A_175 = tpu.vector_load %arg11[%get3A_174] {strides = array<i32>} : memref<6144xf32, #tpu.memory_space<vmem>>, vector<16xf32>,
      %get3A_176 = vector.shape_cast %get3A_175 : vector<16xf32> to vector<16xf32>
      %mul3A_177 = arith.mulf %get3A_161, %get3A_176 : vector<16xf32>
      %add3A_178 = arith.addf %mul3A_177, %get3A_6 : vector<16xf32>
      %min3A = arith.constant 8.500000e+01 : f32
      %min3A_179 = vector.broadcast %min3A : f32 to vector<16xf32>
      %min3A_180 = arith.minimumf %add3A_178, %min3A_179 : vector<16xf32>
      %exp3A = math.exp %min3A_180 : vector<16xf32>
      %add3A_181 = arith.constant 1.000000e+00 : f32
      %add3A_182 = vector.broadcast %add3A_181 : f32 to vector<16xf32>
      %add3A_183 = arith.addf %add3A_182, %exp3A : vector<16xf32>
      %div3A = arith.divf %get3A_81, %add3A_183 : vector<16xf32>
      %add3A_184 = arith.addf %get3A_156, %div3A : vector<16xf32>
      %add3A_185 = arith.addf %mul3A_177, %get3A_11 : vector<16xf32>
      %min3A_186 = arith.constant 8.500000e+01 : f32
      %min3A_187 = vector.broadcast %min3A_186 : f32 to vector<16xf32>
      %min3A_188 = arith.minimumf %add3A_185, %min3A_187 : vector<16xf32>
      %exp3A_189 = math.exp %min3A_188 : vector<16xf32>
      %add3A_190 = arith.constant 1.000000e+00 : f32
      %add3A_191 = vector.broadcast %add3A_190 : f32 to vector<16xf32>
      %add3A_192 = arith.addf %add3A_191, %exp3A_189 : vector<16xf32>
      %div3A_193 = arith.divf %get3A_86, %add3A_192 : vector<16xf32>
      %add3A_194 = arith.addf %add3A_184, %div3A_193 : vector<16xf32>
      %add3A_195 = arith.addf %mul3A_177, %get3A_16 : vector<16xf32>
      %min3A_196 = arith.constant 8.500000e+01 : f32
      %min3A_197 = vector.broadcast %min3A_196 : f32 to vector<16xf32>
      %min3A_198 = arith.minimumf %add3A_195, %min3A_197 : vector<16xf32>
      %exp3A_199 = math.exp %min3A_198 : vector<16xf32>
      %add3A_200 = arith.constant 1.000000e+00 : f32
      %add3A_201 = vector.broadcast %add3A_200 : f32 to vector<16xf32>
      %add3A_202 = arith.addf %add3A_201, %exp3A_199 : vector<16xf32>
      %div3A_203 = arith.divf %get3A_91, %add3A_202 : vector<16xf32>
      %add3A_204 = arith.addf %add3A_194, %div3A_203 : vector<16xf32>
      %add3A_205 = arith.addf %mul3A_177, %get3A_21 : vector<16xf32>
      %min3A_206 = arith.constant 8.500000e+01 : f32
      %min3A_207 = vector.broadcast %min3A_206 : f32 to vector<16xf32>
      %min3A_208 = arith.minimumf %add3A_205, %min3A_207 : vector<16xf32>
      %exp3A_209 = math.exp %min3A_208 : vector<16xf32>
      %add3A_210 = arith.constant 1.000000e+00 : f32
      %add3A_211 = vector.broadcast %add3A_210 : f32 to vector<16xf32>
      %add3A_212 = arith.addf %add3A_211, %exp3A_209 : vector<16xf32>
      %div3A_213 = arith.divf %get3A_96, %add3A_212 : vector<16xf32>
      %add3A_214 = arith.addf %add3A_204, %div3A_213 : vector<16xf32>
      %add3A_215 = arith.addf %mul3A_177, %get3A_26 : vector<16xf32>
      %min3A_216 = arith.constant 8.500000e+01 : f32
      %min3A_217 = vector.broadcast %min3A_216 : f32 to vector<16xf32>
      %min3A_218 = arith.minimumf %add3A_215, %min3A_217 : vector<16xf32>
      %exp3A_219 = math.exp %min3A_218 : vector<16xf32>
      %add3A_220 = arith.constant 1.000000e+00 : f32
      %add3A_221 = vector.broadcast %add3A_220 : f32 to vector<16xf32>
      %add3A_222 = arith.addf %add3A_221, %exp3A_219 : vector<16xf32>
      %div3A_223 = arith.divf %get3A_101, %add3A_222 : vector<16xf32>
      %add3A_224 = arith.addf %add3A_214, %div3A_223 : vector<16xf32>
      %add3A_225 = arith.addf %mul3A_177, %get3A_31 : vector<16xf32>
      %min3A_226 = arith.constant 8.500000e+01 : f32
      %min3A_227 = vector.broadcast %min3A_226 : f32 to vector<16xf32>
      %min3A_228 = arith.minimumf %add3A_225, %min3A_227 : vector<16xf32>
      %exp3A_229 = math.exp %min3A_228 : vector<16xf32>
      %add3A_230 = arith.constant 1.000000e+00 : f32
      %add3A_231 = vector.broadcast %add3A_230 : f32 to vector<16xf32>
      %add3A_232 = arith.addf %add3A_231, %exp3A_229 : vector<16xf32>
      %div3A_233 = arith.divf %get3A_106, %add3A_232 : vector<16xf32>
      %add3A_234 = arith.addf %add3A_224, %div3A_233 : vector<16xf32>
      %add3A_235 = arith.addf %mul3A_177, %get3A_36 : vector<16xf32>
      %min3A_236 = arith.constant 8.500000e+01 : f32
      %min3A_237 = vector.broadcast %min3A_236 : f32 to vector<16xf32>
      %min3A_238 = arith.minimumf %add3A_235, %min3A_237 : vector<16xf32>
      %exp3A_239 = math.exp %min3A_238 : vector<16xf32>
      %add3A_240 = arith.constant 1.000000e+00 : f32
      %add3A_241 = vector.broadcast %add3A_240 : f32 to vector<16xf32>
      %add3A_242 = arith.addf %add3A_241, %exp3A_239 : vector<16xf32>
      %div3A_243 = arith.divf %get3A_111, %add3A_242 : vector<16xf32>
      %add3A_244 = arith.addf %add3A_234, %div3A_243 : vector<16xf32>
      %add3A_245 = arith.addf %mul3A_177, %get3A_41 : vector<16xf32>
      %min3A_246 = arith.constant 8.500000e+01 : f32
      %min3A_247 = vector.broadcast %min3A_246 : f32 to vector<16xf32>
      %min3A_248 = arith.minimumf %add3A_245, %min3A_247 : vector<16xf32>
      %exp3A_249 = math.exp %min3A_248 : vector<16xf32>
      %add3A_250 = arith.constant 1.000000e+00 : f32
      %add3A_251 = vector.broadcast %add3A_250 : f32 to vector<16xf32>
      %add3A_252 = arith.addf %add3A_251, %exp3A_249 : vector<16xf32>
      %div3A_253 = arith.divf %get3A_116, %add3A_252 : vector<16xf32>
      %add3A_254 = arith.addf %add3A_244, %div3A_253 : vector<16xf32>
      %add3A_255 = arith.addf %mul3A_177, %get3A_46 : vector<16xf32>
      %min3A_256 = arith.constant 8.500000e+01 : f32
      %min3A_257 = vector.broadcast %min3A_256 : f32 to vector<16xf32>
      %min3A_258 = arith.minimumf %add3A_255, %min3A_257 : vector<16xf32>
      %exp3A_259 = math.exp %min3A_258 : vector<16xf32>
      %add3A_260 = arith.constant 1.000000e+00 : f32
      %add3A_261 = vector.broadcast %add3A_260 : f32 to vector<16xf32>
      %add3A_262 = arith.addf %add3A_261, %exp3A_259 : vector<16xf32>
      %div3A_263 = arith.divf %get3A_121, %add3A_262 : vector<16xf32>
      %add3A_264 = arith.addf %add3A_254, %div3A_263 : vector<16xf32>
      %add3A_265 = arith.addf %mul3A_177, %get3A_51 : vector<16xf32>
      %min3A_266 = arith.constant 8.500000e+01 : f32
      %min3A_267 = vector.broadcast %min3A_266 : f32 to vector<16xf32>
      %min3A_268 = arith.minimumf %add3A_265, %min3A_267 : vector<16xf32>
      %exp3A_269 = math.exp %min3A_268 : vector<16xf32>
      %add3A_270 = arith.constant 1.000000e+00 : f32
      %add3A_271 = vector.broadcast %add3A_270 : f32 to vector<16xf32>
      %add3A_272 = arith.addf %add3A_271, %exp3A_269 : vector<16xf32>
      %div3A_273 = arith.divf %get3A_126, %add3A_272 : vector<16xf32>
      %add3A_274 = arith.addf %add3A_264, %div3A_273 : vector<16xf32>
      %add3A_275 = arith.addf %mul3A_177, %get3A_56 : vector<16xf32>
      %min3A_276 = arith.constant 8.500000e+01 : f32
      %min3A_277 = vector.broadcast %min3A_276 : f32 to vector<16xf32>
      %min3A_278 = arith.minimumf %add3A_275, %min3A_277 : vector<16xf32>
      %exp3A_279 = math.exp %min3A_278 : vector<16xf32>
      %add3A_280 = arith.constant 1.000000e+00 : f32
      %add3A_281 = vector.broadcast %add3A_280 : f32 to vector<16xf32>
      %add3A_282 = arith.addf %add3A_281, %exp3A_279 : vector<16xf32>
      %div3A_283 = arith.divf %get3A_131, %add3A_282 : vector<16xf32>
      %add3A_284 = arith.addf %add3A_274, %div3A_283 : vector<16xf32>
      %add3A_285 = arith.addf %mul3A_177, %get3A_61 : vector<16xf32>
      %min3A_286 = arith.constant 8.500000e+01 : f32
      %min3A_287 = vector.broadcast %min3A_286 : f32 to vector<16xf32>
      %min3A_288 = arith.minimumf %add3A_285, %min3A_287 : vector<16xf32>
      %exp3A_289 = math.exp %min3A_288 : vector<16xf32>
      %add3A_290 = arith.constant 1.000000e+00 : f32
      %add3A_291 = vector.broadcast %add3A_290 : f32 to vector<16xf32>
      %add3A_292 = arith.addf %add3A_291, %exp3A_289 : vector<16xf32>
      %div3A_293 = arith.divf %get3A_136, %add3A_292 : vector<16xf32>
      %add3A_294 = arith.addf %add3A_284, %div3A_293 : vector<16xf32>
      %add3A_295 = arith.addf %mul3A_177, %get3A_66 : vector<16xf32>
      %min3A_296 = arith.constant 8.500000e+01 : f32
      %min3A_297 = vector.broadcast %min3A_296 : f32 to vector<16xf32>
      %min3A_298 = arith.minimumf %add3A_295, %min3A_297 : vector<16xf32>
      %exp3A_299 = math.exp %min3A_298 : vector<16xf32>
      %add3A_300 = arith.constant 1.000000e+00 : f32
      %add3A_301 = vector.broadcast %add3A_300 : f32 to vector<16xf32>
      %add3A_302 = arith.addf %add3A_301, %exp3A_299 : vector<16xf32>
      %div3A_303 = arith.divf %get3A_141, %add3A_302 : vector<16xf32>
      %add3A_304 = arith.addf %add3A_294, %div3A_303 : vector<16xf32>
      %add3A_305 = arith.addf %mul3A_177, %get3A_71 : vector<16xf32>
      %min3A_306 = arith.constant 8.500000e+01 : f32
      %min3A_307 = vector.broadcast %min3A_306 : f32 to vector<16xf32>
      %min3A_308 = arith.minimumf %add3A_305, %min3A_307 : vector<16xf32>
      %exp3A_309 = math.exp %min3A_308 : vector<16xf32>
      %add3A_310 = arith.constant 1.000000e+00 : f32
      %add3A_311 = vector.broadcast %add3A_310 : f32 to vector<16xf32>
      %add3A_312 = arith.addf %add3A_311, %exp3A_309 : vector<16xf32>
      %div3A_313 = arith.divf %get3A_146, %add3A_312 : vector<16xf32>
      %add3A_314 = arith.addf %add3A_304, %div3A_313 : vector<16xf32>
      %add3A_315 = arith.addf %mul3A_177, %get3A_76 : vector<16xf32>
      %min3A_316 = arith.constant 8.500000e+01 : f32
      %min3A_317 = vector.broadcast %min3A_316 : f32 to vector<16xf32>
      %min3A_318 = arith.minimumf %add3A_315, %min3A_317 : vector<16xf32>
      %exp3A_319 = math.exp %min3A_318 : vector<16xf32>
      %add3A_320 = arith.constant 1.000000e+00 : f32
      %add3A_321 = vector.broadcast %add3A_320 : f32 to vector<16xf32>
      %add3A_322 = arith.addf %add3A_321, %exp3A_319 : vector<16xf32>
      %div3A_323 = arith.divf %get3A_151, %add3A_322 : vector<16xf32>
      %add3A_324 = arith.addf %add3A_314, %div3A_323 : vector<16xf32>
      %get3A_325 = arith.index_cast %mul3A_173 : i32 to index
      %get3A_326 = tpu.vector_load %arg13[%get3A_325] {strides = array<i32>} : memref<6144xf32, #tpu.memory_space<vmem>>, vector<16xf32>,
      %get3A_327 = vector.shape_cast %get3A_326 : vector<16xf32> to vector<16xf32>
      %add3A_328 = arith.addf %add3A_324, %get3A_327 : vector<16xf32>
      %swap3A = arith.index_cast %mul3A_173 : i32 to index
      %swap3A_329 = tpu.vector_load %arg14[%swap3A] {strides = array<i32>} : memref<6144xf32, #tpu.memory_space<vmem>>, vector<16xf32>,
      %swap3A_330 = vector.shape_cast %swap3A_329 : vector<16xf32> to vector<16xf32>
      %swap3A_331 = vector.shape_cast %add3A_328 : vector<16xf32> to vector<16xf32>
      tpu.vector_store %arg14[%swap3A], %swap3A_331 {strides = array<i32>} : memref<6144xf32, #tpu.memory_space<vmem>>, vector<16xf32>,
      %get3A_332 = arith.index_cast %mul3A_173 : i32 to index
      %get3A_333 = tpu.vector_load %arg12[%get3A_332] {strides = array<i32>} : memref<6144xf32, #tpu.memory_space<vmem>>, vector<16xf32>,
      %get3A_334 = vector.shape_cast %get3A_333 : vector<16xf32> to vector<16xf32>
      %max3A = arith.constant 1.100000e-01 : f32
      %max3A_335 = vector.broadcast %max3A : f32 to vector<16xf32>
      %max3A_336 = arith.maximumf %get3A_334, %max3A_335 : vector<16xf32>
      %div3A_337 = arith.constant 0.707106769 : f32
      %div3A_338 = vector.broadcast %div3A_337 : f32 to vector<16xf32>
      %div3A_339 = arith.divf %div3A_338, %max3A_336 : vector<16xf32>
      %sub3A = arith.constant 5.000000e-01 : f32
      %sub3A_340 = vector.broadcast %sub3A : f32 to vector<16xf32>
      %sub3A_341 = arith.subf %sub3A_340, %add3A_324 : vector<16xf32>
      %mul3A_342 = arith.mulf %sub3A_341, %div3A_339 : vector<16xf32>
      %sub3A_343 = arith.constant -5.000000e-01 : f32
      %sub3A_344 = vector.broadcast %sub3A_343 : f32 to vector<16xf32>
      %sub3A_345 = arith.subf %sub3A_344, %add3A_324 : vector<16xf32>
      %mul3A_346 = arith.mulf %sub3A_345, %div3A_339 : vector<16xf32>
      %abs3A = math.absf %mul3A_342 : vector<16xf32>
      %mul3A_347 = arith.constant 0.327591091 : f32
      %mul3A_348 = vector.broadcast %mul3A_347 : f32 to vector<16xf32>
      %mul3A_349 = arith.mulf %mul3A_348, %abs3A : vector<16xf32>
      %add3A_350 = arith.constant 1.000000e+00 : f32
      %add3A_351 = vector.broadcast %add3A_350 : f32 to vector<16xf32>
      %add3A_352 = arith.addf %add3A_351, %mul3A_349 : vector<16xf32>
      %div3A_353 = arith.constant 1.000000e+00 : f32
      %div3A_354 = vector.broadcast %div3A_353 : f32 to vector<16xf32>
      %div3A_355 = arith.divf %div3A_354, %add3A_352 : vector<16xf32>
      %mul3A_356 = arith.constant 1.06140542 : f32
      %mul3A_357 = vector.broadcast %mul3A_356 : f32 to vector<16xf32>
      %mul3A_358 = arith.mulf %mul3A_357, %div3A_355 : vector<16xf32>
      %add3A_359 = arith.constant -1.45315206 : f32
      %add3A_360 = vector.broadcast %add3A_359 : f32 to vector<16xf32>
      %add3A_361 = arith.addf %mul3A_358, %add3A_360 : vector<16xf32>
      %mul3A_362 = arith.mulf %add3A_361, %div3A_355 : vector<16xf32>
      %add3A_363 = arith.constant 1.42141378 : f32
      %add3A_364 = vector.broadcast %add3A_363 : f32 to vector<16xf32>
      %add3A_365 = arith.addf %mul3A_362, %add3A_364 : vector<16xf32>
      %mul3A_366 = arith.mulf %add3A_365, %div3A_355 : vector<16xf32>
      %add3A_367 = arith.constant -0.284496725 : f32
      %add3A_368 = vector.broadcast %add3A_367 : f32 to vector<16xf32>
      %add3A_369 = arith.addf %mul3A_366, %add3A_368 : vector<16xf32>
      %mul3A_370 = arith.mulf %add3A_369, %div3A_355 : vector<16xf32>
      %add3A_371 = arith.constant 0.254829586 : f32
      %add3A_372 = vector.broadcast %add3A_371 : f32 to vector<16xf32>
      %add3A_373 = arith.addf %mul3A_370, %add3A_372 : vector<16xf32>
      %mul3A_374 = arith.mulf %add3A_373, %div3A_355 : vector<16xf32>
      %mul3A_375 = arith.mulf %abs3A, %abs3A : vector<16xf32>
      %neg3A = arith.constant 0.000000e+00 : f32
      %neg3A_376 = vector.broadcast %neg3A : f32 to vector<16xf32>
      %neg3A_377 = arith.subf %neg3A_376, %mul3A_375 : vector<16xf32>
      %exp3A_378 = math.exp %neg3A_377 : vector<16xf32>
      %mul3A_379 = arith.mulf %mul3A_374, %exp3A_378 : vector<16xf32>
      %sub3A_380 = arith.constant 1.000000e+00 : f32
      %sub3A_381 = vector.broadcast %sub3A_380 : f32 to vector<16xf32>
      %sub3A_382 = arith.subf %sub3A_381, %mul3A_379 : vector<16xf32>
      %lt3A = arith.constant 0.000000e+00 : f32
      %lt3A_383 = vector.broadcast %lt3A : f32 to vector<16xf32>
      %lt3A_384 = arith.cmpf olt, %mul3A_342, %lt3A_383 : vector<16xf32>
      %neg3A_385 = arith.constant 0.000000e+00 : f32
      %neg3A_386 = vector.broadcast %neg3A_385 : f32 to vector<16xf32>
      %neg3A_387 = arith.subf %neg3A_386, %sub3A_382 : vector<16xf32>
      %select_n3A = arith.select %lt3A_384, %neg3A_387, %sub3A_382 : vector<16xi1>, vector<16xf32>
      %abs3A_388 = math.absf %mul3A_346 : vector<16xf32>
      %mul3A_389 = arith.constant 0.327591091 : f32
      %mul3A_390 = vector.broadcast %mul3A_389 : f32 to vector<16xf32>
      %mul3A_391 = arith.mulf %mul3A_390, %abs3A_388 : vector<16xf32>
      %add3A_392 = arith.constant 1.000000e+00 : f32
      %add3A_393 = vector.broadcast %add3A_392 : f32 to vector<16xf32>
      %add3A_394 = arith.addf %add3A_393, %mul3A_391 : vector<16xf32>
      %div3A_395 = arith.constant 1.000000e+00 : f32
      %div3A_396 = vector.broadcast %div3A_395 : f32 to vector<16xf32>
      %div3A_397 = arith.divf %div3A_396, %add3A_394 : vector<16xf32>
      %mul3A_398 = arith.constant 1.06140542 : f32
      %mul3A_399 = vector.broadcast %mul3A_398 : f32 to vector<16xf32>
      %mul3A_400 = arith.mulf %mul3A_399, %div3A_397 : vector<16xf32>
      %add3A_401 = arith.constant -1.45315206 : f32
      %add3A_402 = vector.broadcast %add3A_401 : f32 to vector<16xf32>
      %add3A_403 = arith.addf %mul3A_400, %add3A_402 : vector<16xf32>
      %mul3A_404 = arith.mulf %add3A_403, %div3A_397 : vector<16xf32>
      %add3A_405 = arith.constant 1.42141378 : f32
      %add3A_406 = vector.broadcast %add3A_405 : f32 to vector<16xf32>
      %add3A_407 = arith.addf %mul3A_404, %add3A_406 : vector<16xf32>
      %mul3A_408 = arith.mulf %add3A_407, %div3A_397 : vector<16xf32>
      %add3A_409 = arith.constant -0.284496725 : f32
      %add3A_410 = vector.broadcast %add3A_409 : f32 to vector<16xf32>
      %add3A_411 = arith.addf %mul3A_408, %add3A_410 : vector<16xf32>
      %mul3A_412 = arith.mulf %add3A_411, %div3A_397 : vector<16xf32>
      %add3A_413 = arith.constant 0.254829586 : f32
      %add3A_414 = vector.broadcast %add3A_413 : f32 to vector<16xf32>
      %add3A_415 = arith.addf %mul3A_412, %add3A_414 : vector<16xf32>
      %mul3A_416 = arith.mulf %add3A_415, %div3A_397 : vector<16xf32>
      %mul3A_417 = arith.mulf %abs3A_388, %abs3A_388 : vector<16xf32>
      %neg3A_418 = arith.constant 0.000000e+00 : f32
      %neg3A_419 = vector.broadcast %neg3A_418 : f32 to vector<16xf32>
      %neg3A_420 = arith.subf %neg3A_419, %mul3A_417 : vector<16xf32>
      %exp3A_421 = math.exp %neg3A_420 : vector<16xf32>
      %mul3A_422 = arith.mulf %mul3A_416, %exp3A_421 : vector<16xf32>
      %sub3A_423 = arith.constant 1.000000e+00 : f32
      %sub3A_424 = vector.broadcast %sub3A_423 : f32 to vector<16xf32>
      %sub3A_425 = arith.subf %sub3A_424, %mul3A_422 : vector<16xf32>
      %lt3A_426 = arith.constant 0.000000e+00 : f32
      %lt3A_427 = vector.broadcast %lt3A_426 : f32 to vector<16xf32>
      %lt3A_428 = arith.cmpf olt, %mul3A_346, %lt3A_427 : vector<16xf32>
      %neg3A_429 = arith.constant 0.000000e+00 : f32
      %neg3A_430 = vector.broadcast %neg3A_429 : f32 to vector<16xf32>
      %neg3A_431 = arith.subf %neg3A_430, %sub3A_425 : vector<16xf32>
      %select_n3A_432 = arith.select %lt3A_428, %neg3A_431, %sub3A_425 : vector<16xi1>, vector<16xf32>
      %sub3A_433 = arith.subf %select_n3A, %select_n3A_432 : vector<16xf32>
      %mul3A_434 = arith.constant 5.000000e-01 : f32
      %mul3A_435 = vector.broadcast %mul3A_434 : f32 to vector<16xf32>
      %mul3A_436 = arith.mulf %mul3A_435, %sub3A_433 : vector<16xf32>
      %max3A_437 = arith.constant 9.99999971E-10 : f32
      %max3A_438 = vector.broadcast %max3A_437 : f32 to vector<16xf32>
      %max3A_439 = arith.maximumf %mul3A_436, %max3A_438 : vector<16xf32>
      %swap3A_440 = arith.index_cast %mul3A_173 : i32 to index
      %swap3A_441 = tpu.vector_load %arg15[%swap3A_440] {strides = array<i32>} : memref<6144xf32, #tpu.memory_space<vmem>>, vector<16xf32>,
      %swap3A_442 = vector.shape_cast %swap3A_441 : vector<16xf32> to vector<16xf32>
      %swap3A_443 = vector.shape_cast %max3A_439 : vector<16xf32> to vector<16xf32>
      tpu.vector_store %arg15[%swap3A_440], %swap3A_443 {strides = array<i32>} : memref<6144xf32, #tpu.memory_space<vmem>>, vector<16xf32>,
      %scan3A_444 = arith.constant 0 : i32
      scf.yield %scan3A_444 : i32
    }
    %scan3A_169 = arith.constant 384 : i32
    "tpu.region"() ({
      %run_scoped3A = tpu.sem_alloc : memref<!tpu.dma_semaphore, #tpu.memory_space<semaphore_mem>>
      %dma_start3A = tpu.memref_slice %arg7[%add3A_163] : memref<196608xf32, #tpu.memory_space<hbm>> -> memref<6144xf32, #tpu.memory_space<hbm>>
      %dma_start3A_170 = tpu.memref_slice %arg7[%add3A_163] : memref<196608xf32, #tpu.memory_space<hbm>> -> memref<6144xf32, #tpu.memory_space<hbm>>
      tpu.enqueue_dma source(%arg14 : memref<6144xf32, #tpu.memory_space<vmem>>) target(%dma_start3A_170 : memref<6144xf32, #tpu.memory_space<hbm>>) target_semaphore(%run_scoped3A : memref<!tpu.dma_semaphore, #tpu.memory_space<semaphore_mem>>)
      %dma_wait3A = tpu.memref_slice %arg7[%add3A_163] : memref<196608xf32, #tpu.memory_space<hbm>> -> memref<6144xf32, #tpu.memory_space<hbm>>
      %dma_wait3A_171 = tpu.memref_slice %arg7[%add3A_163] : memref<196608xf32, #tpu.memory_space<hbm>> -> memref<6144xf32, #tpu.memory_space<hbm>>
      tpu.wait_dma2 semaphore(%run_scoped3A : memref<!tpu.dma_semaphore, #tpu.memory_space<semaphore_mem>>) src(%arg14 : memref<6144xf32, #tpu.memory_space<vmem>>) dst(%dma_wait3A_171 : memref<6144xf32, #tpu.memory_space<hbm>>)
      tpu.yield
    }) : () -> ()
    "tpu.region"() ({
      %run_scoped3A = tpu.sem_alloc : memref<!tpu.dma_semaphore, #tpu.memory_space<semaphore_mem>>
      %dma_start3A = tpu.memref_slice %arg8[%add3A_163] : memref<196608xf32, #tpu.memory_space<hbm>> -> memref<6144xf32, #tpu.memory_space<hbm>>
      %dma_start3A_170 = tpu.memref_slice %arg8[%add3A_163] : memref<196608xf32, #tpu.memory_space<hbm>> -> memref<6144xf32, #tpu.memory_space<hbm>>
      tpu.enqueue_dma source(%arg15 : memref<6144xf32, #tpu.memory_space<vmem>>) target(%dma_start3A_170 : memref<6144xf32, #tpu.memory_space<hbm>>) target_semaphore(%run_scoped3A : memref<!tpu.dma_semaphore, #tpu.memory_space<semaphore_mem>>)
      %dma_wait3A = tpu.memref_slice %arg8[%add3A_163] : memref<196608xf32, #tpu.memory_space<hbm>> -> memref<6144xf32, #tpu.memory_space<hbm>>
      %dma_wait3A_171 = tpu.memref_slice %arg8[%add3A_163] : memref<196608xf32, #tpu.memory_space<hbm>> -> memref<6144xf32, #tpu.memory_space<hbm>>
      tpu.wait_dma2 semaphore(%run_scoped3A : memref<!tpu.dma_semaphore, #tpu.memory_space<semaphore_mem>>) src(%arg15 : memref<6144xf32, #tpu.memory_space<vmem>>) dst(%dma_wait3A_171 : memref<6144xf32, #tpu.memory_space<hbm>>)
      tpu.yield
    }) : () -> ()
    return
  }
}

module attributes {stable_mosaic.version = 14 : i64} {
  func.func @_tc_body(%arg0: i32, %arg1: memref<16xf32, #tpu.memory_space<smem>>, %arg2: memref<15xf32, #tpu.memory_space<smem>>, %arg3: memref<512x384xf32, #tpu.memory_space<vmem>>, %arg4: memref<512x384xf32, #tpu.memory_space<vmem>>, %arg5: memref<512x384xf32, #tpu.memory_space<vmem>>, %arg6: memref<512x384xf32, #tpu.memory_space<vmem>>, %arg7: memref<512x384xf32, #tpu.memory_space<vmem>>) attributes {dimension_semantics = [#tpu.dimension_semantics<arbitrary>], iteration_bounds = array<i64: 7>, scalar_prefetch = 0 : i64, scratch_operands = 0 : i64, tpu.core_type = #tpu.core_type<tc>, window_params = [{transform_indices = @transform_0, window_bounds = array<i64: 16>}, {transform_indices = @transform_1, window_bounds = array<i64: 15>}, {transform_indices = @transform_2, window_bounds = array<i64: 512, 384>}, {transform_indices = @transform_3, window_bounds = array<i64: 512, 384>}, {transform_indices = @transform_4, window_bounds = array<i64: 512, 384>}, {transform_indices = @transform_5, window_bounds = array<i64: 512, 384>}, {transform_indices = @transform_6, window_bounds = array<i64: 512, 384>}]} {
    %get3A = arith.constant 0 : index
    %get3A_0 = arith.constant 0 : index
    %get3A_1 = vector.load %arg3[%get3A, %get3A_0] : memref<512x384xf32, #tpu.memory_space<vmem>>, vector<512x384xf32>
    %get3A_2 = arith.constant 15 : index
    %get3A_3 = memref.load %arg1[%get3A_2] : memref<16xf32, #tpu.memory_space<smem>>
    %mul3A = vector.broadcast %get3A_3 : f32 to vector<512x384xf32>
    %mul3A_4 = arith.mulf %get3A_1, %mul3A : vector<512x384xf32>
    %get3A_5 = arith.constant 0 : index
    %get3A_6 = memref.load %arg1[%get3A_5] : memref<16xf32, #tpu.memory_space<smem>>
    %get3A_7 = arith.constant 0 : index
    %get3A_8 = memref.load %arg2[%get3A_7] : memref<15xf32, #tpu.memory_space<smem>>
    %add3A = vector.broadcast %get3A_8 : f32 to vector<512x384xf32>
    %add3A_9 = arith.addf %mul3A_4, %add3A : vector<512x384xf32>
    %tanh3A = math.tanh %add3A_9 : vector<512x384xf32>
    %mul3A_10 = vector.broadcast %get3A_6 : f32 to vector<512x384xf32>
    %mul3A_11 = arith.mulf %mul3A_10, %tanh3A : vector<512x384xf32>
    %get3A_12 = arith.constant 1 : index
    %get3A_13 = memref.load %arg1[%get3A_12] : memref<16xf32, #tpu.memory_space<smem>>
    %get3A_14 = arith.constant 1 : index
    %get3A_15 = memref.load %arg2[%get3A_14] : memref<15xf32, #tpu.memory_space<smem>>
    %add3A_16 = vector.broadcast %get3A_15 : f32 to vector<512x384xf32>
    %add3A_17 = arith.addf %mul3A_4, %add3A_16 : vector<512x384xf32>
    %tanh3A_18 = math.tanh %add3A_17 : vector<512x384xf32>
    %mul3A_19 = vector.broadcast %get3A_13 : f32 to vector<512x384xf32>
    %mul3A_20 = arith.mulf %mul3A_19, %tanh3A_18 : vector<512x384xf32>
    %add3A_21 = arith.addf %mul3A_11, %mul3A_20 : vector<512x384xf32>
    %get3A_22 = arith.constant 2 : index
    %get3A_23 = memref.load %arg1[%get3A_22] : memref<16xf32, #tpu.memory_space<smem>>
    %get3A_24 = arith.constant 2 : index
    %get3A_25 = memref.load %arg2[%get3A_24] : memref<15xf32, #tpu.memory_space<smem>>
    %add3A_26 = vector.broadcast %get3A_25 : f32 to vector<512x384xf32>
    %add3A_27 = arith.addf %mul3A_4, %add3A_26 : vector<512x384xf32>
    %tanh3A_28 = math.tanh %add3A_27 : vector<512x384xf32>
    %mul3A_29 = vector.broadcast %get3A_23 : f32 to vector<512x384xf32>
    %mul3A_30 = arith.mulf %mul3A_29, %tanh3A_28 : vector<512x384xf32>
    %add3A_31 = arith.addf %add3A_21, %mul3A_30 : vector<512x384xf32>
    %get3A_32 = arith.constant 3 : index
    %get3A_33 = memref.load %arg1[%get3A_32] : memref<16xf32, #tpu.memory_space<smem>>
    %get3A_34 = arith.constant 3 : index
    %get3A_35 = memref.load %arg2[%get3A_34] : memref<15xf32, #tpu.memory_space<smem>>
    %add3A_36 = vector.broadcast %get3A_35 : f32 to vector<512x384xf32>
    %add3A_37 = arith.addf %mul3A_4, %add3A_36 : vector<512x384xf32>
    %tanh3A_38 = math.tanh %add3A_37 : vector<512x384xf32>
    %mul3A_39 = vector.broadcast %get3A_33 : f32 to vector<512x384xf32>
    %mul3A_40 = arith.mulf %mul3A_39, %tanh3A_38 : vector<512x384xf32>
    %add3A_41 = arith.addf %add3A_31, %mul3A_40 : vector<512x384xf32>
    %get3A_42 = arith.constant 4 : index
    %get3A_43 = memref.load %arg1[%get3A_42] : memref<16xf32, #tpu.memory_space<smem>>
    %get3A_44 = arith.constant 4 : index
    %get3A_45 = memref.load %arg2[%get3A_44] : memref<15xf32, #tpu.memory_space<smem>>
    %add3A_46 = vector.broadcast %get3A_45 : f32 to vector<512x384xf32>
    %add3A_47 = arith.addf %mul3A_4, %add3A_46 : vector<512x384xf32>
    %tanh3A_48 = math.tanh %add3A_47 : vector<512x384xf32>
    %mul3A_49 = vector.broadcast %get3A_43 : f32 to vector<512x384xf32>
    %mul3A_50 = arith.mulf %mul3A_49, %tanh3A_48 : vector<512x384xf32>
    %add3A_51 = arith.addf %add3A_41, %mul3A_50 : vector<512x384xf32>
    %get3A_52 = arith.constant 5 : index
    %get3A_53 = memref.load %arg1[%get3A_52] : memref<16xf32, #tpu.memory_space<smem>>
    %get3A_54 = arith.constant 5 : index
    %get3A_55 = memref.load %arg2[%get3A_54] : memref<15xf32, #tpu.memory_space<smem>>
    %add3A_56 = vector.broadcast %get3A_55 : f32 to vector<512x384xf32>
    %add3A_57 = arith.addf %mul3A_4, %add3A_56 : vector<512x384xf32>
    %tanh3A_58 = math.tanh %add3A_57 : vector<512x384xf32>
    %mul3A_59 = vector.broadcast %get3A_53 : f32 to vector<512x384xf32>
    %mul3A_60 = arith.mulf %mul3A_59, %tanh3A_58 : vector<512x384xf32>
    %add3A_61 = arith.addf %add3A_51, %mul3A_60 : vector<512x384xf32>
    %get3A_62 = arith.constant 6 : index
    %get3A_63 = memref.load %arg1[%get3A_62] : memref<16xf32, #tpu.memory_space<smem>>
    %get3A_64 = arith.constant 6 : index
    %get3A_65 = memref.load %arg2[%get3A_64] : memref<15xf32, #tpu.memory_space<smem>>
    %add3A_66 = vector.broadcast %get3A_65 : f32 to vector<512x384xf32>
    %add3A_67 = arith.addf %mul3A_4, %add3A_66 : vector<512x384xf32>
    %tanh3A_68 = math.tanh %add3A_67 : vector<512x384xf32>
    %mul3A_69 = vector.broadcast %get3A_63 : f32 to vector<512x384xf32>
    %mul3A_70 = arith.mulf %mul3A_69, %tanh3A_68 : vector<512x384xf32>
    %add3A_71 = arith.addf %add3A_61, %mul3A_70 : vector<512x384xf32>
    %get3A_72 = arith.constant 7 : index
    %get3A_73 = memref.load %arg1[%get3A_72] : memref<16xf32, #tpu.memory_space<smem>>
    %get3A_74 = arith.constant 7 : index
    %get3A_75 = memref.load %arg2[%get3A_74] : memref<15xf32, #tpu.memory_space<smem>>
    %add3A_76 = vector.broadcast %get3A_75 : f32 to vector<512x384xf32>
    %add3A_77 = arith.addf %mul3A_4, %add3A_76 : vector<512x384xf32>
    %tanh3A_78 = math.tanh %add3A_77 : vector<512x384xf32>
    %mul3A_79 = vector.broadcast %get3A_73 : f32 to vector<512x384xf32>
    %mul3A_80 = arith.mulf %mul3A_79, %tanh3A_78 : vector<512x384xf32>
    %add3A_81 = arith.addf %add3A_71, %mul3A_80 : vector<512x384xf32>
    %get3A_82 = arith.constant 8 : index
    %get3A_83 = memref.load %arg1[%get3A_82] : memref<16xf32, #tpu.memory_space<smem>>
    %get3A_84 = arith.constant 8 : index
    %get3A_85 = memref.load %arg2[%get3A_84] : memref<15xf32, #tpu.memory_space<smem>>
    %add3A_86 = vector.broadcast %get3A_85 : f32 to vector<512x384xf32>
    %add3A_87 = arith.addf %mul3A_4, %add3A_86 : vector<512x384xf32>
    %tanh3A_88 = math.tanh %add3A_87 : vector<512x384xf32>
    %mul3A_89 = vector.broadcast %get3A_83 : f32 to vector<512x384xf32>
    %mul3A_90 = arith.mulf %mul3A_89, %tanh3A_88 : vector<512x384xf32>
    %add3A_91 = arith.addf %add3A_81, %mul3A_90 : vector<512x384xf32>
    %get3A_92 = arith.constant 9 : index
    %get3A_93 = memref.load %arg1[%get3A_92] : memref<16xf32, #tpu.memory_space<smem>>
    %get3A_94 = arith.constant 9 : index
    %get3A_95 = memref.load %arg2[%get3A_94] : memref<15xf32, #tpu.memory_space<smem>>
    %add3A_96 = vector.broadcast %get3A_95 : f32 to vector<512x384xf32>
    %add3A_97 = arith.addf %mul3A_4, %add3A_96 : vector<512x384xf32>
    %tanh3A_98 = math.tanh %add3A_97 : vector<512x384xf32>
    %mul3A_99 = vector.broadcast %get3A_93 : f32 to vector<512x384xf32>
    %mul3A_100 = arith.mulf %mul3A_99, %tanh3A_98 : vector<512x384xf32>
    %add3A_101 = arith.addf %add3A_91, %mul3A_100 : vector<512x384xf32>
    %get3A_102 = arith.constant 10 : index
    %get3A_103 = memref.load %arg1[%get3A_102] : memref<16xf32, #tpu.memory_space<smem>>
    %get3A_104 = arith.constant 10 : index
    %get3A_105 = memref.load %arg2[%get3A_104] : memref<15xf32, #tpu.memory_space<smem>>
    %add3A_106 = vector.broadcast %get3A_105 : f32 to vector<512x384xf32>
    %add3A_107 = arith.addf %mul3A_4, %add3A_106 : vector<512x384xf32>
    %tanh3A_108 = math.tanh %add3A_107 : vector<512x384xf32>
    %mul3A_109 = vector.broadcast %get3A_103 : f32 to vector<512x384xf32>
    %mul3A_110 = arith.mulf %mul3A_109, %tanh3A_108 : vector<512x384xf32>
    %add3A_111 = arith.addf %add3A_101, %mul3A_110 : vector<512x384xf32>
    %get3A_112 = arith.constant 11 : index
    %get3A_113 = memref.load %arg1[%get3A_112] : memref<16xf32, #tpu.memory_space<smem>>
    %get3A_114 = arith.constant 11 : index
    %get3A_115 = memref.load %arg2[%get3A_114] : memref<15xf32, #tpu.memory_space<smem>>
    %add3A_116 = vector.broadcast %get3A_115 : f32 to vector<512x384xf32>
    %add3A_117 = arith.addf %mul3A_4, %add3A_116 : vector<512x384xf32>
    %tanh3A_118 = math.tanh %add3A_117 : vector<512x384xf32>
    %mul3A_119 = vector.broadcast %get3A_113 : f32 to vector<512x384xf32>
    %mul3A_120 = arith.mulf %mul3A_119, %tanh3A_118 : vector<512x384xf32>
    %add3A_121 = arith.addf %add3A_111, %mul3A_120 : vector<512x384xf32>
    %get3A_122 = arith.constant 12 : index
    %get3A_123 = memref.load %arg1[%get3A_122] : memref<16xf32, #tpu.memory_space<smem>>
    %get3A_124 = arith.constant 12 : index
    %get3A_125 = memref.load %arg2[%get3A_124] : memref<15xf32, #tpu.memory_space<smem>>
    %add3A_126 = vector.broadcast %get3A_125 : f32 to vector<512x384xf32>
    %add3A_127 = arith.addf %mul3A_4, %add3A_126 : vector<512x384xf32>
    %tanh3A_128 = math.tanh %add3A_127 : vector<512x384xf32>
    %mul3A_129 = vector.broadcast %get3A_123 : f32 to vector<512x384xf32>
    %mul3A_130 = arith.mulf %mul3A_129, %tanh3A_128 : vector<512x384xf32>
    %add3A_131 = arith.addf %add3A_121, %mul3A_130 : vector<512x384xf32>
    %get3A_132 = arith.constant 13 : index
    %get3A_133 = memref.load %arg1[%get3A_132] : memref<16xf32, #tpu.memory_space<smem>>
    %get3A_134 = arith.constant 13 : index
    %get3A_135 = memref.load %arg2[%get3A_134] : memref<15xf32, #tpu.memory_space<smem>>
    %add3A_136 = vector.broadcast %get3A_135 : f32 to vector<512x384xf32>
    %add3A_137 = arith.addf %mul3A_4, %add3A_136 : vector<512x384xf32>
    %tanh3A_138 = math.tanh %add3A_137 : vector<512x384xf32>
    %mul3A_139 = vector.broadcast %get3A_133 : f32 to vector<512x384xf32>
    %mul3A_140 = arith.mulf %mul3A_139, %tanh3A_138 : vector<512x384xf32>
    %add3A_141 = arith.addf %add3A_131, %mul3A_140 : vector<512x384xf32>
    %get3A_142 = arith.constant 14 : index
    %get3A_143 = memref.load %arg1[%get3A_142] : memref<16xf32, #tpu.memory_space<smem>>
    %get3A_144 = arith.constant 14 : index
    %get3A_145 = memref.load %arg2[%get3A_144] : memref<15xf32, #tpu.memory_space<smem>>
    %add3A_146 = vector.broadcast %get3A_145 : f32 to vector<512x384xf32>
    %add3A_147 = arith.addf %mul3A_4, %add3A_146 : vector<512x384xf32>
    %tanh3A_148 = math.tanh %add3A_147 : vector<512x384xf32>
    %mul3A_149 = vector.broadcast %get3A_143 : f32 to vector<512x384xf32>
    %mul3A_150 = arith.mulf %mul3A_149, %tanh3A_148 : vector<512x384xf32>
    %add3A_151 = arith.addf %add3A_141, %mul3A_150 : vector<512x384xf32>
    %get3A_152 = arith.constant 0 : index
    %get3A_153 = arith.constant 0 : index
    %get3A_154 = vector.load %arg5[%get3A_152, %get3A_153] : memref<512x384xf32, #tpu.memory_space<vmem>>, vector<512x384xf32>
    %add3A_155 = arith.addf %add3A_151, %get3A_154 : vector<512x384xf32>
    %swap3A = arith.constant 0 : index
    %swap3A_156 = arith.constant 0 : index
    %swap3A_157 = vector.load %arg6[%swap3A, %swap3A_156] : memref<512x384xf32, #tpu.memory_space<vmem>>, vector<512x384xf32>
    tpu.vector_store %arg6[%swap3A, %swap3A_156], %add3A_155 {strides = array<i32>} : memref<512x384xf32, #tpu.memory_space<vmem>>, vector<512x384xf32>,
    %get3A_158 = arith.constant 0 : index
    %get3A_159 = arith.constant 0 : index
    %get3A_160 = vector.load %arg4[%get3A_158, %get3A_159] : memref<512x384xf32, #tpu.memory_space<vmem>>, vector<512x384xf32>
    %max3A = arith.constant 1.100000e-01 : f32
    %max3A_161 = vector.broadcast %max3A : f32 to vector<512x384xf32>
    %max3A_162 = arith.maximumf %get3A_160, %max3A_161 : vector<512x384xf32>
    %div3A = arith.constant 0.707106769 : f32
    %div3A_163 = vector.broadcast %div3A : f32 to vector<512x384xf32>
    %div3A_164 = arith.divf %div3A_163, %max3A_162 : vector<512x384xf32>
    %sub3A = arith.constant 5.000000e-01 : f32
    %sub3A_165 = vector.broadcast %sub3A : f32 to vector<512x384xf32>
    %sub3A_166 = arith.subf %sub3A_165, %add3A_151 : vector<512x384xf32>
    %mul3A_167 = arith.mulf %sub3A_166, %div3A_164 : vector<512x384xf32>
    %sub3A_168 = arith.constant -5.000000e-01 : f32
    %sub3A_169 = vector.broadcast %sub3A_168 : f32 to vector<512x384xf32>
    %sub3A_170 = arith.subf %sub3A_169, %add3A_151 : vector<512x384xf32>
    %mul3A_171 = arith.mulf %sub3A_170, %div3A_164 : vector<512x384xf32>
    %erf3A = math.erf %mul3A_167 : vector<512x384xf32>
    %erf3A_172 = math.erf %mul3A_171 : vector<512x384xf32>
    %sub3A_173 = arith.subf %erf3A, %erf3A_172 : vector<512x384xf32>
    %mul3A_174 = arith.constant 5.000000e-01 : f32
    %mul3A_175 = vector.broadcast %mul3A_174 : f32 to vector<512x384xf32>
    %mul3A_176 = arith.mulf %mul3A_175, %sub3A_173 : vector<512x384xf32>
    %max3A_177 = arith.constant 9.99999971E-10 : f32
    %max3A_178 = vector.broadcast %max3A_177 : f32 to vector<512x384xf32>
    %max3A_179 = arith.maximumf %mul3A_176, %max3A_178 : vector<512x384xf32>
    %swap3A_180 = arith.constant 0 : index
    %swap3A_181 = arith.constant 0 : index
    %swap3A_182 = vector.load %arg7[%swap3A_180, %swap3A_181] : memref<512x384xf32, #tpu.memory_space<vmem>>, vector<512x384xf32>
    tpu.vector_store %arg7[%swap3A_180, %swap3A_181], %max3A_179 {strides = array<i32>} : memref<512x384xf32, #tpu.memory_space<vmem>>, vector<512x384xf32>,
    return
  }
  func.func @transform_0(%arg0: i32) -> i32 {
    %c0_i32 = arith.constant 0 : i32
    %c0_i32_0 = arith.constant 0 : i32
    return %c0_i32 : i32
  }
  func.func @transform_1(%arg0: i32) -> i32 {
    %c0_i32 = arith.constant 0 : i32
    %c0_i32_0 = arith.constant 0 : i32
    return %c0_i32 : i32
  }
  func.func @transform_2(%arg0: i32) -> (i32, i32) {
    %add3A = arith.constant 1 : i32
    %add3A_0 = arith.addi %arg0, %add3A : i32
    %c0_i32 = arith.constant 0 : i32
    %c0_i32_1 = arith.constant 0 : i32
    return %add3A_0, %c0_i32 : i32, i32
  }
  func.func @transform_3(%arg0: i32) -> (i32, i32) {
    %add3A = arith.constant 1 : i32
    %add3A_0 = arith.addi %arg0, %add3A : i32
    %c0_i32 = arith.constant 0 : i32
    %c0_i32_1 = arith.constant 0 : i32
    return %add3A_0, %c0_i32 : i32, i32
  }
  func.func @transform_4(%arg0: i32) -> (i32, i32) {
    %add3A = arith.constant 1 : i32
    %add3A_0 = arith.addi %arg0, %add3A : i32
    %c0_i32 = arith.constant 0 : i32
    %c0_i32_1 = arith.constant 0 : i32
    return %add3A_0, %c0_i32 : i32, i32
  }
  func.func @transform_5(%arg0: i32) -> (i32, i32) {
    %add3A = arith.constant 1 : i32
    %add3A_0 = arith.addi %arg0, %add3A : i32
    %c0_i32 = arith.constant 0 : i32
    %c0_i32_1 = arith.constant 0 : i32
    return %add3A_0, %c0_i32 : i32, i32
  }
  func.func @transform_6(%arg0: i32) -> (i32, i32) {
    %add3A = arith.constant 1 : i32
    %add3A_0 = arith.addi %arg0, %add3A : i32
    %c0_i32 = arith.constant 0 : i32
    %c0_i32_1 = arith.constant 0 : i32
    return %add3A_0, %c0_i32 : i32, i32
  }
}

</mosaic_0001>

<sc_bundles>
// kernel: kernel.4.cloned.1.call-start
scs
__scs_entry_jumppad:
0x0: {  	(pc) =	sbr.rel $0x88, $3  }
0x1: {  	(tag) =	ssettag $0x0;
	lr =	simm.s32 $0x1  }
0x2: {  	[smem:$0x3F9B] =	sst lr;
	_ =	strace $0xD0000000  }
0x3: {  	_ = 	snop  }
0x4: {  	_ = 	snop  }
0x5: {  	_ = 	snop  }
0x6: {  	_ = 	snop  }
0x7: {  	_ = 	snop  }
__scs_overlays_trampoline_lowered:
0x8: {  	[smem:$0x3FAA] =	sst s0  }
0x9: {  	[smem:$0x3FAB] =	sst s1  }
0xa: {  	[smem:$0x3FAC] =	sst s2  }
0xb: {  	[smem:$0x3FAD] =	sst s3  }
0xc: {  	[smem:$0x3FAE] =	sst s4  }
0xd: {  	[smem:$0x3FAF] =	sst s5  }
0xe: {  	[smem:$0x3FB0] =	sst s6  }
0xf: {  	[smem:$0x3FB1] =	sst s7  }
0x10: {  	[smem:$0x3FB2] =	sst s8  }
0x11: {  	[smem:$0x3FB3] =	sst s9;
	s0 =	simm.s32 @!p0 $0x0  }
0x12: {  	s1 =	sld [smem:$0x3F99];
	s0 =	simm.s32 @p0 $0x1  }
0x13: {  	[smem:$0x3FB4] =	sst s0;
	s0 =	simm.s32 @!p1 $0x0  }
0x14: {  	s2 =	sld [smem:$0x3F98];
	s0 =	simm.s32 @p1 $0x1  }
0x15: {  	[smem:$0x3FB5] =	sst s0;
	s0 =	simm.s32 @!p2 $0x0  }
0x16: {  	s3 =	sld [smem:$0x3FDB];
	s0 =	simm.s32 @p2 $0x1  }
0x17: {  	s4 =	simm.s32 $0x1BF5;
	[smem:$0x3FB7] =	sst s0  }
0x18: {  	s0 =	sld [smem:$0x3F9A];
	_ =	swait.ge [sflag:s4], $0x0  }
0x19: {  	s7 =	sld [smem:$0x3F9B]  }
0x1a: {  	s8 =	sadd.s32 $0xFFFFE003, lr  }
0x1b: {  	s9 =	sadd.s32 $0xFFFFFEF7, lr;
	s5 =	simm.s32 $0xFFFFFFFF;
	p2 =	slt.u32 s8, $0xFFFFF086  }
0x1c: {  	p1 =	slt.u32 s9, $0xF7A;
	s5 =	simm.s32 @!p2 $0x0  }
0x1d: {  	s5 =	simm.s32 @p1 $0x1;
	p0 =	seq.s32 s7, s2  }
0x1e: {  	s7 =	smul.u32 @!p0 $0xF7A, s2;
	p2 =	seq.s32 @!p0 s5, $0x0  }
0x1f: {  	s9 =	smul.u32 $0xF7A, s1;
	s8 =	simm.s32 @!p0 $0x1BF5;
	p2 =	por !p2, p0  }
0x20: {  	[sflag:s8] =	ssyncset.s32 @!p0 $0xFFFFF086;
	s6 =	sadd.s32 @!p0 s3, s7;
	s7 =	simm.s32 @!p0 $0x108  }
0x21: {  	s3 =	sadd.s32 s3, s9;
	s6 =	sadd.s32 @!p0 $0x88, s6;
	s7 =	simm.s32 @p2 $0x1082  }
0x22: {  	[simem:s7], [sflag:s8] =	dma.local @!p0 [hbm:s6], $0xF7A  }
0x23: {  	s9 =	sor.u32 $0xD0000000, s2;
	s6 =	simm.s32 $0x108;
	_ =	swait.ge @!p0 [sflag:s8], $0x0  }
0x24: {  	s3 =	sadd.s32 $0x88, s3;
	s6 =	simm.s32 @!p1 $0x1082;
	[sflag:s4] =	ssyncset.s32 $0xFFFFF086  }
0x25: {  	[simem:s6], [sflag:s4] =	dma.local [hbm:s3], $0xF7A  }
0x26: {  	[smem:$0x3F9B] =	sst s1;
	(tag) =	ssettag s2;
	_ =	strace s9  }
0x27: {  	s1 =	sld [smem:$0x3FAB]  }
0x28: {  	s2 =	sld [smem:$0x3FAC]  }
0x29: {  	s4 =	sld [smem:$0x3FAE]  }
0x2a: {  	p0 =	seq.s32 s5, $0x0;
	s5 =	sld [smem:$0x3FAF]  }
0x2b: {  	s6 =	sld [smem:$0x3FB0]  }
0x2c: {  	s7 =	sld [smem:$0x3FB1]  }
0x2d: {  	s3 =	simm.s32 $0x108;
	s8 =	sld [smem:$0x3FB2]  }
0x2e: {  	s3 =	simm.s32 @!p0 $0x1082;
	s9 =	sld [smem:$0x3FB3]  }
0x2f: {  	lr =	sadd.s32 s0, s3;
	s0 =	sld [smem:$0x3FAA]  }
0x30: {  	s3 =	sld [smem:$0x3FAD]  }
0x31: {  	[smem:$0x3FB6] =	sst s10  }
0x32: {  	s10 =	sld [smem:$0x3FB4];
	_ =	sdelay $0x3  }
0x33: {  	p0 =	seq.s32 s10, $0x1;
	s10 =	sld [smem:$0x3FB6];
	_ =	sdelay $0x3  }
0x34: {  	[smem:$0x3FB6] =	sst s10  }
0x35: {  	s10 =	sld [smem:$0x3FB5];
	_ =	sdelay $0x3  }
0x36: {  	p1 =	seq.s32 s10, $0x1;
	s10 =	sld [smem:$0x3FB6];
	_ =	sdelay $0x3  }
0x37: {  	[smem:$0x3FB6] =	sst s10  }
0x38: {  	s10 =	sld [smem:$0x3FB7]  }
0x39: {  	_ = 	snop;
	(pc) =	sbr.ind lr, $3  }
0x3a: {  	_ = 	snop  }
0x3b: {  	_ = 	snop  }
0x3c: {  	p2 =	seq.s32 s10, $0x1;
	s10 =	sld [smem:$0x3FB6]  }
0x3d: {  	_ =	shalt  }
0x3e: {  	_ =	shalt  }
0x3f: {  	_ =	shalt  }
0x40: {  	_ =	shalt  }
0x41: {  	_ =	shalt  }
0x42: {  	_ =	shalt  }
0x43: {  	_ =	shalt  }
0x44: {  	_ =	shalt  }
0x45: {  	_ =	shalt  }
0x46: {  	_ =	shalt  }
0x47: {  	_ =	shalt  }
0x48: {  	_ =	shalt  }
0x49: {  	_ =	shalt  }
0x4a: {  	_ =	shalt  }
0x4b: {  	_ =	shalt  }
0x4c: {  	_ =	shalt  }
0x4d: {  	_ =	shalt  }
0x4e: {  	_ =	shalt  }
0x4f: {  	_ =	shalt  }
0x50: {  	_ =	shalt  }
0x51: {  	_ =	shalt  }
0x52: {  	_ =	shalt  }
0x53: {  	_ =	shalt  }
0x54: {  	_ =	shalt  }
0x55: {  	_ =	shalt  }
0x56: {  	_ =	shalt  }
0x57: {  	_ =	shalt  }
0x58: {  	_ =	shalt  }
0x59: {  	_ =	shalt  }
0x5a: {  	_ =	shalt  }
0x5b: {  	_ =	shalt  }
0x5c: {  	_ =	shalt  }
0x5d: {  	_ =	shalt  }
0x5e: {  	_ =	shalt  }
0x5f: {  	_ =	shalt  }
0x60: {  	_ =	shalt  }
0x61: {  	_ =	shalt  }
0x62: {  	_ =	shalt  }
0x63: {  	_ =	shalt  }
0x64: {  	_ =	shalt  }
0x65: {  	_ =	shalt  }
0x66: {  	_ =	shalt  }
0x67: {  	_ =	shalt  }
0x68: {  	_ =	shalt  }
0x69: {  	_ =	shalt  }
0x6a: {  	_ =	shalt  }
0x6b: {  	_ =	shalt  }
0x6c: {  	_ =	shalt  }
0x6d: {  	_ =	shalt  }
0x6e: {  	_ =	shalt  }
0x6f: {  	_ =	shalt  }
0x70: {  	_ =	shalt  }
0x71: {  	_ =	shalt  }
0x72: {  	_ =	shalt  }
0x73: {  	_ =	shalt  }
0x74: {  	_ =	shalt  }
0x75: {  	_ =	shalt  }
0x76: {  	_ =	shalt  }
0x77: {  	_ =	shalt  }
0x78: {  	_ =	shalt  }
0x79: {  	_ =	shalt  }
0x7a: {  	_ =	shalt  }
0x7b: {  	_ =	shalt  }
0x7c: {  	_ =	shalt  }
0x7d: {  	_ =	shalt  }
0x7e: {  	_ =	shalt  }
0x7f: {  	_ =	shalt  }
0x80: {  	_ =	shalt  }
0x81: {  	_ =	shalt  }
0x82: {  	_ =	shalt  }
0x83: {  	_ =	shalt  }
0x84: {  	_ =	shalt  }
0x85: {  	_ =	shalt  }
0x86: {  	_ =	shalt  }
0x87: {  	_ =	shalt  }
.Lfunc_end0:
.L_simem_size_0:
called_computation_lowered:
.L_overlay_start_0:
0x88: {  	s2 =	sld [smem:$0x3FD9]  }
0x89: {  	s3 =	sld [smem:$0x3FFE];
	_ =	sdelay $0x1  }
0x8a: {  	s1 =	srdreg.scid  }
0x8b: {  	s0 =	sand.u32 $0x1, s1  }
0x8c: {  	s16 =	sshll.u32 s0, $0xA;
	s2 =	sadd.s32 s3, s2  }
0x8d: {  	s2 =	sadd.s32 s2, s16  }
0x8e: {  	[smem:$0x3FC2] =	sst s2  }
0x8f: {  	_ = 	snop  }
0x90: {  	(tm) =	ssettm $0x1  }
0x91: {  	s17 =	sld [smem:$0x3FFB];
	_ =	sdelay $0x3  }
0x92: {  	_ =	strace s17  }
0x93: {  	s2 =	sld [smem:$0x3FFC];
	_ =	sdelay $0x3  }
0x94: {  	_ =	strace s2  }
0x95: {  	s2 =	sld [smem:$0x3FFD];
	_ =	sdelay $0x3  }
0x96: {  	_ =	strace s2  }
0x97: {  	_ =	strace $0x8FFFFFFF  }
0x98: {  	s18 =	sld [smem:$0x3FDB];
	_ =	sdelay $0x1  }
0x99: {  	s19 =	simm.s32 $_scs_section_size  }
0x9a: {  	s4 =	simm.s32 $_size__tile_overlayer_lowered;
	s5 =	simm.s32 $_tile_overlayer_lowered  }
0x9b: {  	s22 =	simm.s32 $0x1BFF;
	s21 =	sshll.u32 s5, $0x1;
	s2 =	sadd.s32 s19, s18  }
0x9c: {  	s6 =	simm.s32 $0x0;
	s20 =	sshll.u32 s4, $0x1;
	s4 =	sadd.s32 s21, s2  }
0x9d: {  	[timem:s6], [sflag:s22] =	dma.local [hbm:s4], s20  }
0x9e: {  	_ =	swait.ge [sflag:s22], s20  }
0x9f: {  	s3 =	ssub.s32 $0x0, s20;
	[sflag:s22] =	ssyncset.done $0x0  }
0xa0: {  	[sflag:s22] =	ssyncadd.s32 s3;
	_ =	sdelay $0x1  }
0xa1: {  	s23 =	simm.s32 $0x1B8B  }
0xa2: {  	_ =	swait.ge [sflag:s23], $0x1  }
0xa3: {  	[sflag:s23] =	ssyncset.done $0x0  }
0xa4: {  	s25 =	simm.s32 $0x1B8E;
	s24 =	sld [smem:$0x3FFE];
	[sflag:s23] =	ssyncadd.s32 $0xFFFFFFFF  }
0xa5: {  	s26 =	simm.s32 $execute0_lowered;
	[smem:$0x3FD2] =	sst s25  }
0xa6: {  	s4 =	sshll.u32 s26, $0x1;
	_ =	strace $0x80000046;
	[dreg:$0x1] =	wrdreg $0xFFFFFFFF  }
0xa7: {  	s28 =	simm.s32 $_size_execute0_lowered;
	s2 =	sadd.s32 s2, s4;
	[dreg:$0x0] =	wrdreg $0x0  }
0xa8: {  	s4 =	sshll.u32 s28, $0x1;
	[dreg:$0x2] =	wrdreg s2  }
0xa9: {  	[dreg:$0x3] =	wrdreg s4  }
0xaa: {  	[dreg:$0x4] =	wrdreg $0xC0  }
0xab: {  	_ =	task [dreg:s6], $0x5FFFF  }
0xac: {  	[dreg:$0x1] =	wrdreg $0xFFFFFFFF  }
0xad: {  	[dreg:$0x0] =	wrdreg $0x60  }
0xae: {  	[dreg:$0x2] =	wrdreg s24  }
0xaf: {  	[dreg:$0x3] =	wrdreg $0x9  }
0xb0: {  	_ =	task.clear_ibuf [dreg:s6], $0x4FFFF;
	_ =	strace $0x90000046  }
0xb1: {  	s29 =	simm.s32 $0x9;
	_ =	strace $0x80000048  }
0xb2: {  	_ =	swait.ge [sflag:s29], $0x1  }
0xb3: {  	[sflag:s29] =	ssyncadd.s32 $0xFFFFFFFF  }
0xb4: {  	_ =	strace $0x90000048  }
0xb5: {  	_ =	sfence  }
0xb6: {  	s30 =	sld [smem:$0x0];
	_ =	sdelay $0x2  }
0xb7: {  	s31 =	sshll.u32 s1, $0xD;
	s1 =	sshrl.u32 s1, $0x2  }
0xb8: {  	s3 =	sand.u32 $0x4000, s31;
	s1 =	sadd.s32 s1, s30  }
0xb9: {  	s0 =	sor.u32 s3, s0;
	s1 =	sshll.u32 s1, $0x11  }
0xba: {  	s0 =	sor.u32 s1, s0  }
0xbb: {  	s0 =	sadd.s32 $0x8F2B, s0  }
0xbc: {  	[sflag:s0] =	ssyncadd.remote.s32 $0x1  }
0xbd: {  	_ =	sfence.sel $0xFFFF  }
0xbe: {  	[dreg:$0x0] =	wrdreg $0xFFFFFFFF;
	(pc) =	sbr.abs _section_cstart, $3  }
0xbf: {  	[dreg:$0x1] =	wrdreg $0xFFFFFFFF  }
0xc0: {  	_ =	task.clear_ibuf [dreg:s6], $0x2FFFF;
	_ =	strace $0x9FFFFFFF  }
0xc1: {  	(tm) =	ssettm $0x7FFFFFFF  }
tec
execute0_lowered:
.L_overlay_start_1:
0x0: {  	(tag) =	ssettag $0x1  }
0x1: {  	s1 =	srdreg.scid  }
0x2: {  	s0 =	stileid.u32;
	s5 =	rddreg [dreg:$0x0];
	s2 =	simm.s32 $0x0  }
0x3: {  	s11 =	simm.s32 $0x1;
	s12 =	simm.s32 $0x800;
	s13 =	simm.s32 $0x1000  }
0x4: {  	s14 =	simm.s32 $0x2800;
	s15 =	simm.s32 $0x4000;
	s16 =	simm.s32 $0x5800  }
0x5: {  	s17 =	simm.s32 $0x7000;
	s4 =	sand.u32 $0x1, s1;
	s3 =	sshll.u32 s0, $0x1  }
0x6: {  	s18 =	simm.s32 $0x0;
	s1 =	rddreg [dreg:$0x1];
	s3 =	sor.u32 s4, s3  }
0x7: {  	[smem:$0x7FF] =	sst s2;
	s7 =	ssub.s32 $0x2, s4;
	s6 =	smul.u32 $0x300, s3  }
0x8: {  	_ =	strace $0x80000047;
	s4 =	sadd.s32 $0x92200, s5;
	s31 =	sshrl.u32 s7, $0x1  }
0x9: {  	s3 =	sadd.s32 $0x92400, s5;
	s10 =	ssub.s32 s7, s31;
	s9 =	sadd.s32 s6, s5  }
0xa: {  	s10 =	smax.u32 s10, $0x1;
	s5 =	sadd.s32 $0x62200, s9;
	s6 =	sadd.s32 $0x32200, s9  }
0xb: {  	s7 =	sadd.s32 $0x2200, s9;
	s8 =	sadd.s32 $0x92600, s9;
	s9 =	sadd.s32 $0x98600, s9  }
.LBB2_1:
0xc: {  	[tilespmem:s2], [sflag:$0x1] =	stream.linear.gather [hbm4b:s3+s2], $0x800, $0x38;
	[tilespmem:$0x8800] =	vst v63  }
0xd: {  	_ =	swait.ge [sflag:s11], $0x800  }
0xe: {  	[sflag:s11] =	ssyncset.done $0x0  }
0xf: {  	[sflag:s11] =	ssyncadd.s32 $0xFFFFF800  }
0x10: {  	[tilespmem:s12], [sflag:$0x1] =	stream.linear.gather [hbm4b:s4+s2], $0x800, $0x38;
	[tilespmem:$0x8800] =	vst v63  }
0x11: {  	_ =	swait.ge [sflag:s11], $0x800  }
0x12: {  	[sflag:s11] =	ssyncset.done $0x0  }
0x13: {  	[sflag:s11] =	ssyncadd.s32 $0xFFFFF800  }
0x14: {  	v8 =	vld [tilespmem:$0x0]  }
0x15: {  	v10 =	vld [tilespmem:$0x80]  }
0x16: {  	v11 =	vld [tilespmem:$0x100]  }
0x17: {  	v12 =	vld [tilespmem:$0x180]  }
0x18: {  	v13 =	vld [tilespmem:$0x200]  }
0x19: {  	v14 =	vld [tilespmem:$0x280]  }
0x1a: {  	v16 =	vld [tilespmem:$0x300]  }
0x1b: {  	v17 =	vld [tilespmem:$0x380]  }
0x1c: {  	v18 =	vld [tilespmem:$0x400]  }
0x1d: {  	v19 =	vld [tilespmem:$0x480]  }
0x1e: {  	v20 =	vld [tilespmem:$0x500]  }
0x1f: {  	v21 =	vld [tilespmem:$0x580]  }
0x20: {  	v22 =	vld [tilespmem:$0x600]  }
0x21: {  	v23 =	vld [tilespmem:$0x680]  }
0x22: {  	v24 =	vld [tilespmem:$0x700]  }
0x23: {  	v25 =	vld [tilespmem:$0x800]  }
0x24: {  	v26 =	vld [tilespmem:$0x880]  }
0x25: {  	v27 =	vld [tilespmem:$0x900]  }
0x26: {  	v15 =	vld [tilespmem:$0x980]  }
0x27: {  	v9 =	vld [tilespmem:$0xA00]  }
0x28: {  	v7 =	vld [tilespmem:$0xA80]  }
0x29: {  	v6 =	vld [tilespmem:$0xB00]  }
0x2a: {  	v5 =	vld [tilespmem:$0xB80]  }
0x2b: {  	v28 =	vld [tilespmem:$0xC00]  }
0x2c: {  	v29 =	vld [tilespmem:$0xC80]  }
0x2d: {  	v4 =	vld [tilespmem:$0xD00]  }
0x2e: {  	v3 =	vld [tilespmem:$0xD80]  }
0x2f: {  	v2 =	vld [tilespmem:$0xE00]  }
0x30: {  	v1 =	vld [tilespmem:$0xE80]  }
0x31: {  	v0 =	vld [tilespmem:$0xF00]  }
0x32: {  	v30 =	vld [tilespmem:$0xF80]  }
0x33: {  	v31 =	vld [tilespmem:$0x780];
	[tilespmem:s13], [sflag:$0x1] =	stream.linear.gather [hbm4b:s5+s2], $0x1800, $0x38  }
0x34: {  	_ =	swait.ge [sflag:s11], $0x1800  }
0x35: {  	[sflag:s11] =	ssyncset.done $0x0  }
0x36: {  	[sflag:s11] =	ssyncadd.s32 $0xFFFFE800  }
0x37: {  	[tilespmem:s14], [sflag:$0x1] =	stream.linear.gather [hbm4b:s6+s2], $0x1800, $0x38;
	[tilespmem:$0x8800] =	vst v63  }
0x38: {  	_ =	swait.ge [sflag:s11], $0x1800  }
0x39: {  	[sflag:s11] =	ssyncset.done $0x0  }
0x3a: {  	[sflag:s11] =	ssyncadd.s32 $0xFFFFE800  }
0x3b: {  	[tilespmem:s15], [sflag:$0x1] =	stream.linear.gather [hbm4b:s7+s2], $0x1800, $0x38;
	[tilespmem:$0x8800] =	vst v63  }
0x3c: {  	_ =	swait.ge [sflag:s11], $0x1800  }
0x3d: {  	[sflag:s11] =	ssyncset.done $0x0  }
0x3e: {  	s19 =	simm.s32 $0x0;
	[sflag:s11] =	ssyncadd.s32 $0xFFFFE800  }
0x3f: {  	v32 =	vld [tilespmem:s19+$0x1000];
	_ =	sdelay $0x4  }
0x40: {  	v33 =	vmul.f32 v32, v31;
	_ =	sdelay $0x1  }
0x41: {  	v32 =	vadd.f32 v33, v8;
	_ =	sdelay $0x1  }
0x42: {  	v32 =	vmin.f32 v32, $8.500000000e+01  }
0x43: {  	v32 =	vmul.f32 $1.442695020e+00, v32;
	_ =	sdelay $0x1  }
0x44: {  	(erf) = vpow2.f32 v32  }
0x45: {  	v34 =	vadd.f32 v33, v10;
	v60 =	vadd.f32 v33, v11  }
0x46: {  	v35 =	vadd.f32 v33, v13;
	v36 =	vadd.f32 v33, v12  }
0x47: {  	v37 =	vadd.f32 v33, v18;
	v38 =	vadd.f32 v33, v16;
	v34 =	vmin.f32 v34, $8.500000000e+01  }
0x48: {  	v39 =	vadd.f32 v33, v17;
	v34 =	vmul.f32 $1.442695020e+00, v34;
	v32 =	vmin.f32 v60, $8.500000000e+01  }
0x49: {  	v62 =	vadd.f32 v33, v19;
	v35 =	vmin.f32 v35, $8.500000000e+01;
	v32 =	vmul.f32 $1.442695020e+00, v32  }
0x4a: {  	v61 =	vmin.f32 v37, $8.500000000e+01;
	v35 =	vmul.f32 $1.442695020e+00, v35;
	(erf) = vpow2.f32 v34  }
0x4b: {  	v38 =	vmin.f32 v38, $8.500000000e+01;
	v34 =	vmul.f32 $1.442695020e+00, v61;
	(erf) = vpow2.f32 v32  }
0x4c: {  	v37 =	vmin.f32 v62, $8.500000000e+01;
	v63 =	vmul.f32 $1.442695020e+00, v38;
	(erf) = vpow2.f32 v35  }
0x4d: {  	v40 =	vadd.f32 v33, v14;
	v37 =	vmul.f32 $1.442695020e+00, v37;
	(erf) = vpow2.f32 v34;
	v41 =	vpop (erf)  }
0x4e: {  	v42 =	vmin.f32 v39, $8.500000000e+01;
	(erf) = vpow2.f32 v63;
	v43 =	vadd.f32 $1.000000000e+00, v41  }
0x4f: {  	v36 =	vmin.f32 v36, $8.500000000e+01;
	v34 =	vmul.f32 $1.442695020e+00, v42;
	(erf) = vpow2.f32 v37  }
0x50: {  	v36 =	vmul.f32 $1.442695020e+00, v36;
	v35 =	vmin.f32 v40, $8.500000000e+01;
	(erf) = vrcp.f32 v43  }
0x51: {  	v44 =	vmul.f32 $1.442695020e+00, v35;
	(erf) = vpow2.f32 v34  }
0x52: {  	(erf) = vpow2.f32 v36  }
0x53: {  	v45 =	vpop (erf);
	(erf) = vpow2.f32 v44  }
0x54: {  	v46 =	vpop (erf)  }
0x55: {  	v47 =	vpop (erf)  }
0x56: {  	v61 =	vadd.f32 v33, v20;
	v62 =	vpop (erf)  }
0x57: {  	v34 =	vadd.f32 $1.000000000e+00, v45;
	v63 =	vpop (erf)  }
0x58: {  	v40 =	vadd.f32 v33, v21;
	v32 =	vadd.f32 $1.000000000e+00, v46;
	v36 =	vmin.f32 v61, $8.500000000e+01;
	v48 =	vpop (erf)  }
0x59: {  	v36 =	vmul.f32 $1.442695020e+00, v36;
	(erf) = vrcp.f32 v34;
	v49 =	vpop (erf)  }
0x5a: {  	v40 =	vmin.f32 v40, $8.500000000e+01;
	v50 =	vadd.f32 $1.000000000e+00, v62;
	(erf) = vrcp.f32 v32;
	v51 =	vpop (erf)  }
0x5b: {  	v41 =	vadd.f32 v33, v22;
	v39 =	vadd.f32 $1.000000000e+00, v48;
	(erf) = vpow2.f32 v36;
	v52 =	vpop (erf)  }
0x5c: {  	v42 =	vadd.f32 v33, v23;
	v40 =	vmul.f32 $1.442695020e+00, v40;
	(erf) = vrcp.f32 v50;
	v53 =	vpop (erf)  }
0x5d: {  	v41 =	vmin.f32 v41, $8.500000000e+01;
	(erf) = vrcp.f32 v39;
	v32 =	vadd.f32 $1.000000000e+00, v53  }
0x5e: {  	v54 =	vmul.f32 $1.442695020e+00, v41;
	(erf) = vpow2.f32 v40  }
0x5f: {  	v55 =	vmin.f32 v42, $8.500000000e+01;
	v36 =	vadd.f32 $1.000000000e+00, v52;
	(erf) = vrcp.f32 v32  }
0x60: {  	s20 =	simm.s32 $0x10;
	v56 =	vmul.f32 $1.442695020e+00, v55;
	(erf) = vpow2.f32 v54  }
0x61: {  	v43 =	vld [tilespmem:s20+$0x1000];
	(erf) = vrcp.f32 v36  }
0x62: {  	v60 =	vld [tilespmem:s19+$0x2800];
	v33 =	vadd.f32 v33, v24;
	v57 =	vpop (erf);
	(erf) = vpow2.f32 v56  }
0x63: {  	v58 =	vpop (erf)  }
0x64: {  	v33 =	vmin.f32 v33, $8.500000000e+01;
	v59 =	vpop (erf)  }
0x65: {  	v33 =	vmul.f32 $1.442695020e+00, v33;
	v35 =	vadd.f32 $1.000000000e+00, v47;
	v34 =	vmul.f32 v49, v25;
	v41 =	vpop (erf)  }
0x66: {  	v38 =	vadd.f32 $1.000000000e+00, v63;
	v37 =	vadd.f32 $1.000000000e+00, v51;
	v32 =	vmul.f32 v43, v31;
	v42 =	vpop (erf)  }
0x67: {  	v62 =	vmax.f32 v60, $1.099999990e-01;
	v34 =	vadd.f32 v34, v30;
	v39 =	vadd.f32 $1.000000000e+00, v59;
	v61 =	vpop (erf)  }
0x68: {  	v46 =	vmul.f32 v58, v27;
	v49 =	vadd.f32 v32, v8;
	v52 =	vadd.f32 v32, v10;
	v44 =	vpop (erf)  }
0x69: {  	v36 =	vmul.f32 v57, v26;
	v53 =	vadd.f32 v32, v11;
	v55 =	vadd.f32 v32, v13;
	v45 =	vpop (erf)  }
0x6a: {  	v57 =	vadd.f32 v32, v18;
	v58 =	vadd.f32 v32, v19;
	(erf) = vrcp.f32 v35;
	v63 =	vpop (erf)  }
0x6b: {  	v60 =	vadd.f32 v32, v17;
	v41 =	vmul.f32 v41, v28;
	(erf) = vrcp.f32 v62;
	v47 =	vpop (erf)  }
0x6c: {  	v56 =	vadd.f32 v32, v12;
	(erf) = vrcp.f32 v38;
	v48 =	vadd.f32 $1.000000000e+00, v47  }
0x6d: {  	v34 =	vadd.f32 v34, v36;
	v35 =	vadd.f32 $1.000000000e+00, v61;
	(erf) = vrcp.f32 v39  }
0x6e: {  	v50 =	vmin.f32 v49, $8.500000000e+01;
	v61 =	vadd.f32 v32, v14;
	(erf) = vrcp.f32 v48  }
0x6f: {  	v34 =	vadd.f32 v34, v46;
	v38 =	vmul.f32 $1.442695020e+00, v50;
	(erf) = vrcp.f32 v35  }
0x70: {  	v39 =	vmin.f32 v55, $8.500000000e+01;
	v55 =	vmul.f32 v44, v7;
	(erf) = vrcp.f32 v37  }
0x71: {  	v54 =	vadd.f32 $1.000000000e+00, v45;
	v39 =	vmul.f32 $1.442695020e+00, v39;
	(erf) = vpow2.f32 v33  }
0x72: {  	v36 =	vmul.f32 v63, v15;
	v37 =	vmin.f32 v52, $8.500000000e+01;
	(erf) = vpow2.f32 v38  }
0x73: {  	v45 =	vmin.f32 v57, $8.500000000e+01;
	v51 =	vpop (erf);
	v47 =	vadd.f32 v32, v16;
	v37 =	vmul.f32 $1.442695020e+00, v37  }
0x74: {  	v45 =	vmul.f32 $1.442695020e+00, v45;
	v34 =	vadd.f32 v34, v36;
	v36 =	vmin.f32 v53, $8.500000000e+01;
	v33 =	vpop (erf)  }
0x75: {  	v36 =	vmul.f32 $1.442695020e+00, v36;
	v47 =	vmin.f32 v47, $8.500000000e+01;
	v35 =	vmul.f32 v51, v9;
	v43 =	vpop (erf)  }
0x76: {  	v59 =	vmul.f32 $1.442695020e+00, v47;
	v51 =	vmin.f32 v56, $8.500000000e+01;
	v46 =	vpop (erf);
	(erf) = vpow2.f32 v37  }
0x77: {  	v53 =	vmin.f32 v61, $8.500000000e+01;
	v52 =	vmul.f32 $1.442695020e+00, v51;
	v37 =	vpop (erf);
	(erf) = vrcp.f32 v54  }
0x78: {  	v34 =	vadd.f32 v34, v35;
	v38 =	vmin.f32 v58, $8.500000000e+01;
	v48 =	vpop (erf);
	(erf) = vpow2.f32 v36  }
0x79: {  	v61 =	vadd.f32 v32, v23;
	v38 =	vmul.f32 $1.442695020e+00, v38;
	v47 =	vpop (erf);
	(erf) = vpow2.f32 v39  }
0x7a: {  	v57 =	vmul.f32 v43, v6;
	v34 =	vadd.f32 v34, v55;
	v49 =	vpop (erf);
	(erf) = vpow2.f32 v45  }
0x7b: {  	v39 =	vmin.f32 v60, $8.500000000e+01;
	v50 =	vpop (erf);
	(erf) = vpow2.f32 v59;
	v62 =	vadd.f32 $1.000000000e+00, v49  }
0x7c: {  	v39 =	vmul.f32 $1.442695020e+00, v39;
	v63 =	vadd.f32 $1.000000000e+00, v50;
	(erf) = vpow2.f32 v38  }
0x7d: {  	v34 =	vadd.f32 v34, v57;
	v47 =	vmul.f32 v47, v5;
	(erf) = vrcp.f32 v62  }
0x7e: {  	v45 =	vmul.f32 v46, v4;
	v46 =	vmin.f32 v61, $8.500000000e+01;
	(erf) = vrcp.f32 v63  }
0x7f: {  	v61 =	vld [tilespmem:s20+$0x2800];
	v38 =	vmul.f32 $1.442695020e+00, v53;
	v54 =	vpop (erf);
	v34 =	vadd.f32 v34, v47;
	(erf) = vpow2.f32 v39  }
0x80: {  	v42 =	vmul.f32 v42, v29;
	v58 =	vadd.f32 v32, v20;
	v35 =	vpop (erf);
	(erf) = vpow2.f32 v52  }
0x81: {  	v40 =	vadd.f32 $1.000000000e+00, v54;
	v34 =	vadd.f32 v34, v41;
	v56 =	vpop (erf);
	(erf) = vpow2.f32 v38  }
0x82: {  	v33 =	vmul.f32 $7.071067690e-01, v33;
	v54 =	vadd.f32 v32, v22;
	v63 =	vadd.f32 v32, v21;
	v43 =	vpop (erf)  }
0x83: {  	v60 =	vmin.f32 v58, $8.500000000e+01;
	v34 =	vadd.f32 v34, v42;
	v36 =	vadd.f32 $1.000000000e+00, v56;
	v59 =	vpop (erf)  }
0x84: {  	v47 =	vmin.f32 v54, $8.500000000e+01;
	v41 =	vmax.f32 v61, $1.099999990e-01;
	(erf) = vrcp.f32 v40;
	v39 =	vpop (erf)  }
0x85: {  	v38 =	vmul.f32 $1.442695020e+00, v60;
	v34 =	vadd.f32 v34, v45;
	(erf) = vrcp.f32 v36;
	v62 =	vpop (erf)  }
0x86: {  	v55 =	vadd.f32 $1.000000000e+00, v59;
	v51 =	vpop (erf);
	v49 =	vadd.f32 $1.000000000e+00, v62;
	v62 =	vmul.f32 v48, v3  }
0x87: {  	v50 =	vmin.f32 v63, $8.500000000e+01;
	v63 =	vmul.f32 $1.442695020e+00, v46;
	(erf) = vpow2.f32 v38;
	v53 =	vpop (erf)  }
0x88: {  	v35 =	vmul.f32 v35, v2;
	v56 =	vpop (erf);
	(erf) = vrcp.f32 v55;
	v34 =	vadd.f32 v34, v62  }
0x89: {  	v61 =	vadd.f32 v32, v24;
	v60 =	vmul.f32 $1.442695020e+00, v47;
	v47 =	vmul.f32 v37, v1;
	v57 =	vpop (erf)  }
0x8a: {  	v45 =	vadd.f32 $1.000000000e+00, v43;
	v59 =	vmul.f32 $1.442695020e+00, v50;
	v58 =	vpop (erf);
	v34 =	vadd.f32 v34, v35  }
0x8b: {  	v39 =	vadd.f32 $1.000000000e+00, v39;
	(erf) = vrcp.f32 v49;
	v36 =	vadd.f32 $1.000000000e+00, v58  }
0x8c: {  	v52 =	vmul.f32 v51, v0;
	(erf) = vpow2.f32 v59;
	v34 =	vadd.f32 v34, v47  }
0x8d: {  	v40 =	vmul.f32 v53, v25;
	v38 =	vadd.f32 $1.000000000e+00, v57;
	(erf) = vrcp.f32 v36  }
0x8e: {  	v44 =	vadd.f32 $1.000000000e+00, v56;
	v46 =	vpop (erf);
	(erf) = vpow2.f32 v60;
	v34 =	vadd.f32 v34, v52  }
0x8f: {  	s21 =	simm.s32 $0x20;
	v54 =	vadd.f32 v40, v30;
	v48 =	vpop (erf);
	(erf) = vrcp.f32 v38;
	v38 =	vmul.f32 v46, v26  }
0x90: {  	v49 =	vpop (erf);
	v56 =	vmul.f32 v48, v27;
	v60 =	vld [tilespmem:s21+$0x1000];
	(erf) = vpow2.f32 v63;
	v62 =	vsub.f32 $-5.000000000e-01, v34  }
0x91: {  	v55 =	vld [tilespmem:s19+$0x4000];
	v47 =	vsub.f32 $5.000000000e-01, v34;
	(erf) = vrcp.f32 v45;
	v50 =	vpop (erf);
	v58 =	vadd.f32 v54, v38  }
0x92: {  	v45 =	vmin.f32 v61, $8.500000000e+01;
	(erf) = vrcp.f32 v41;
	v38 =	vmul.f32 v50, v28  }
0x93: {  	v32 =	vmul.f32 v62, v33;
	v42 =	vmul.f32 $1.442695020e+00, v45  }
0x94: {  	v35 =	vadd.f32 $1.000000000e+00, v49;
	v53 =	vpop (erf);
	v33 =	vmul.f32 v47, v33;
	(erf) = vrcp.f32 v39  }
0x95: {  	v43 =	vpop (erf);
	v39 =	vmul.f32 v53, v29;
	v36 =	vmul.f32 v60, v31  }
0x96: {  	v37 =	vadd.f32 v58, v56;
	(erf) = vrcp.f32 v35;
	v35 =	vadd.f32 v34, v55;
	v57 =	vpop (erf)  }
0x97: {  	v55 =	vand.u32 $0x7FFFFFFF, v32;
	v43 =	vadd.f32 $1.000000000e+00, v43;
	v58 =	vadd.f32 v36, v8;
	v59 =	vpop (erf)  }
0x98: {  	v40 =	vmul.f32 v57, v7;
	v63 =	vpop (erf);
	v41 =	vadd.f32 $1.000000000e+00, v59;
	v59 =	vadd.f32 v36, v10  }
0x99: {  	v60 =	vmin.f32 v58, $8.500000000e+01;
	v52 =	vpop (erf);
	v46 =	vmul.f32 v63, v15;
	v63 =	vadd.f32 v36, v12  }
0x9a: {  	v53 =	vpop (erf);
	v48 =	vadd.f32 $1.000000000e+00, v52;
	v52 =	vadd.f32 v36, v11;
	v61 =	vmin.f32 v59, $8.500000000e+01  }
0x9b: {  	v59 =	vadd.f32 v36, v18;
	v54 =	vmul.f32 v53, v9;
	v37 =	vadd.f32 v37, v46  }
0x9c: {  	v46 =	vmul.f32 $3.275910910e-01, v55;
	v58 =	vmin.f32 v63, $8.500000000e+01;
	v53 =	vadd.f32 v36, v17  }
0x9d: {  	v34 =	vpop (erf);
	(erf) = vrcp.f32 v48;
	v48 =	vmul.f32 $1.442695020e+00, v60;
	v62 =	vmin.f32 v52, $8.500000000e+01  }
0x9e: {  	v56 =	vpop (erf);
	v60 =	vadd.f32 v36, v16;
	v51 =	vmul.f32 $1.442695020e+00, v58;
	v34 =	vmul.f32 $7.071067690e-01, v34  }
0x9f: {  	v37 =	vadd.f32 v37, v54;
	v45 =	vmul.f32 v56, v6;
	(erf) = vrcp.f32 v43  }
0xa0: {  	v56 =	vmul.f32 $1.442695020e+00, v61;
	v46 =	vadd.f32 $1.000000000e+00, v46;
	v50 =	vmul.f32 $1.442695020e+00, v62  }
0xa1: {  	v57 =	vpop (erf);
	v61 =	vadd.f32 v36, v14;
	v63 =	vmin.f32 v53, $8.500000000e+01;
	(erf) = vrcp.f32 v44  }
0xa2: {  	v49 =	vmul.f32 v57, v4;
	v52 =	vmin.f32 v60, $8.500000000e+01;
	(erf) = vpow2.f32 v42  }
0xa3: {  	v57 =	vadd.f32 v36, v13;
	v62 =	vmul.f32 $1.442695020e+00, v52;
	(erf) = vpow2.f32 v48  }
0xa4: {  	v37 =	vadd.f32 v37, v40;
	v40 =	vmul.f32 $1.442695020e+00, v63;
	v42 =	vmin.f32 v59, $8.500000000e+01  }
0xa5: {  	v59 =	vadd.f32 v36, v20;
	v44 =	vmin.f32 v57, $8.500000000e+01;
	(erf) = vpow2.f32 v56  }
0xa6: {  	v57 =	vadd.f32 v36, v19;
	v42 =	vmul.f32 $1.442695020e+00, v42;
	(erf) = vrcp.f32 v46  }
0xa7: {  	v48 =	vmin.f32 v61, $8.500000000e+01;
	v44 =	vmul.f32 $1.442695020e+00, v44;
	(erf) = vrcp.f32 v41  }
0xa8: {  	v55 =	vadd.f32 v36, v22;
	v48 =	vmul.f32 $1.442695020e+00, v48;
	(erf) = vpow2.f32 v50;
	v56 =	vpop (erf)  }
0xa9: {  	v37 =	vadd.f32 v37, v45;
	v63 =	vmin.f32 v59, $8.500000000e+01;
	v41 =	vmin.f32 v57, $8.500000000e+01;
	v52 =	vpop (erf)  }
0xaa: {  	v57 =	vadd.f32 v36, v23;
	v41 =	vmul.f32 $1.442695020e+00, v41;
	(erf) = vpow2.f32 v44;
	v58 =	vpop (erf)  }
0xab: {  	v44 =	vmin.f32 v55, $8.500000000e+01;
	(erf) = vpow2.f32 v42;
	v45 =	vmul.f32 v56, v1;
	v60 =	vpop (erf)  }
0xac: {  	(erf) = vpow2.f32 v62;
	v50 =	vmul.f32 v58, v5;
	v61 =	vpop (erf);
	v62 =	vadd.f32 $1.000000000e+00, v60  }
0xad: {  	(erf) = vpow2.f32 v41;
	v41 =	vmul.f32 $1.442695020e+00, v63;
	v42 =	vadd.f32 $1.000000000e+00, v61  }
0xae: {  	v58 =	vadd.f32 v36, v21;
	v56 =	vpop (erf);
	v37 =	vadd.f32 v37, v50;
	(erf) = vrcp.f32 v62  }
0xaf: {  	v50 =	vmul.f32 $1.442695020e+00, v44;
	v53 =	vpop (erf);
	v43 =	vadd.f32 $1.000000000e+00, v56;
	(erf) = vrcp.f32 v42  }
0xb0: {  	v59 =	vpop (erf);
	v60 =	vmul.f32 $1.061405420e+00, v53;
	v37 =	vadd.f32 v37, v38;
	(erf) = vpow2.f32 v40  }
0xb1: {  	v38 =	vmul.f32 v32, v32;
	v42 =	vmin.f32 v58, $8.500000000e+01;
	v61 =	vpop (erf);
	(erf) = vpow2.f32 v51  }
0xb2: {  	v40 =	vmin.f32 v57, $8.500000000e+01;
	v62 =	vadd.f32 $1.000000000e+00, v61;
	(erf) = vpow2.f32 v48  }
0xb3: {  	v42 =	vmul.f32 $1.442695020e+00, v42;
	v63 =	vpop (erf);
	v46 =	vadd.f32 $-1.453152060e+00, v60;
	v37 =	vadd.f32 v37, v39  }
0xb4: {  	v39 =	vmul.f32 v59, v2;
	v59 =	vmul.f32 v52, v3;
	v60 =	vand.u32 $0x7FFFFFFF, v33;
	v54 =	vpop (erf)  }
0xb5: {  	v38 =	vsub.f32 $0.0e+00, v38;
	(erf) = vrcp.f32 v43;
	v43 =	vadd.f32 $1.000000000e+00, v63;
	v56 =	vpop (erf)  }
0xb6: {  	v46 =	vmul.f32 v46, v53;
	v58 =	vadd.f32 $1.000000000e+00, v54;
	(erf) = vrcp.f32 v62;
	v57 =	vpop (erf)  }
0xb7: {  	v37 =	vadd.f32 v37, v49;
	v54 =	vmul.f32 v33, v33;
	(erf) = vpow2.f32 v41;
	v51 =	vpop (erf)  }
0xb8: {  	[tilespmem:s19+$0x5800] =	vst v35;
	v46 =	vadd.f32 $1.421413780e+00, v46;
	v41 =	vmul.f32 $3.275910910e-01, v60;
	v61 =	vpop (erf);
	(erf) = vrcp.f32 v58  }
0xb9: {  	v38 =	vmul.f32 $1.442695020e+00, v38;
	v47 =	vadd.f32 $1.000000000e+00, v57;
	v37 =	vadd.f32 v37, v59;
	v59 =	vld [tilespmem:s21+$0x2800];
	v63 =	vpop (erf)  }
0xba: {  	v48 =	vadd.f32 $1.000000000e+00, v56;
	v55 =	vadd.f32 $1.000000000e+00, v41;
	v56 =	vmul.f32 v46, v53;
	v57 =	vpop (erf)  }
0xbb: {  	v62 =	vmul.f32 v61, v25;
	(erf) = vrcp.f32 v47;
	v58 =	vpop (erf)  }
0xbc: {  	v61 =	vmul.f32 $1.442695020e+00, v40;
	(erf) = vrcp.f32 v55;
	v35 =	vadd.f32 $1.000000000e+00, v58  }
0xbd: {  	v41 =	vadd.f32 $1.000000000e+00, v63;
	v49 =	vadd.f32 v62, v30;
	(erf) = vpow2.f32 v42  }
0xbe: {  	v63 =	vadd.f32 $1.000000000e+00, v57;
	v57 =	vmax.f32 v59, $1.099999990e-01;
	v60 =	vpop (erf);
	(erf) = vrcp.f32 v35  }
0xbf: {  	v59 =	vadd.f32 $-2.844967250e-01, v56;
	v62 =	vpop (erf);
	v52 =	vmul.f32 v60, v26;
	(erf) = vpow2.f32 v50  }
0xc0: {  	v60 =	vmul.f32 v51, v0;
	v55 =	vpop (erf);
	(erf) = vrcp.f32 v63  }
0xc1: {  	v37 =	vadd.f32 v37, v39;
	v39 =	vmul.f32 v59, v53;
	v58 =	vpop (erf);
	(erf) = vpow2.f32 v61  }
0xc2: {  	v44 =	vmul.f32 v62, v27;
	v50 =	vsub.f32 $0.0e+00, v54;
	(erf) = vrcp.f32 v43  }
0xc3: {  	v54 =	vadd.f32 v37, v45;
	v39 =	vadd.f32 $2.548295860e-01, v39;
	(erf) = vrcp.f32 v57  }
0xc4: {  	v45 =	vadd.f32 v49, v52;
	v47 =	vmul.f32 $1.442695020e+00, v50;
	v62 =	vpop (erf);
	v43 =	vld [tilespmem:s20+$0x4000];
	(erf) = vpow2.f32 v38  }
0xc5: {  	v61 =	vadd.f32 $1.000000000e+00, v55;
	v42 =	vadd.f32 v54, v60;
	v39 =	vmul.f32 v39, v53;
	v40 =	vpop (erf)  }
0xc6: {  	v49 =	vadd.f32 v36, v24;
	v46 =	vpop (erf);
	v63 =	vmul.f32 $1.061405420e+00, v40;
	(erf) = vrcp.f32 v48  }
0xc7: {  	v35 =	vmul.f32 v58, v28;
	v36 =	vsub.f32 $5.000000000e-01, v42;
	(erf) = vrcp.f32 v61;
	v50 =	vpop (erf)  }
0xc8: {  	s22 =	simm.s32 $0xC0;
	v37 =	vmul.f32 v62, v29;
	v51 =	vsub.f32 $-5.000000000e-01, v42;
	v38 =	vadd.f32 $-1.453152060e+00, v63;
	v48 =	vpop (erf)  }
.LBB2_2:
0xc9: {  	s23 =	sshra.s32 s22, $0x2;
	p0 =	sne.s32 s22, $0x5FC0;
	s22 =	sadd.s32 $0x40, s22;
	v52 =	vpop (erf);
	v42 =	vadd.f32 v42, v43;
	vm1 =	vlt.f32 v32, $0.0e+00;
	(erf) = vpow2.f32 v47  }
0xca: {  	v47 =	vmul.f32 v50, v7;
	vm0 =	vlt.f32 v33, $0.0e+00;
	v43 =	vld [tilespmem:s23+$0x1000];
	v50 =	vpop (erf);
	v53 =	vmul.f32 v38, v40  }
0xcb: {  	v33 =	vadd.f32 v45, v44;
	v44 =	vmul.f32 v52, v15;
	v32 =	vmul.f32 v51, v34;
	v38 =	vpop (erf);
	[tilespmem:s20+$0x5800] =	vst v42  }
0xcc: {  	v45 =	vadd.f32 $1.000000000e+00, v50;
	v42 =	vmul.f32 v38, v9;
	v38 =	vpop (erf);
	v50 =	vadd.f32 $1.421413780e+00, v53  }
0xcd: {  	v52 =	vadd.f32 v33, v44;
	v44 =	vmin.f32 v49, $8.500000000e+01;
	v49 =	vand.u32 $0x7FFFFFFF, v32;
	v51 =	vpop (erf)  }
0xce: {  	v48 =	vadd.f32 $1.000000000e+00, v48;
	v44 =	vmul.f32 $1.442695020e+00, v44;
	v51 =	vmul.f32 v39, v51  }
0xcf: {  	v39 =	vmul.f32 v43, v31;
	v43 =	vadd.f32 v52, v42;
	v33 =	vpop (erf);
	v42 =	vmul.f32 v50, v40  }
0xd0: {  	v49 =	vmul.f32 $3.275910910e-01, v49;
	v50 =	vmul.f32 v33, v6;
	v33 =	vpop (erf);
	v51 =	vsub.f32 $1.000000000e+00, v51  }
0xd1: {  	v52 =	vadd.f32 v39, v8;
	v33 =	vmul.f32 v33, v4;
	v42 =	vadd.f32 $-2.844967250e-01, v42  }
0xd2: {  	v46 =	vadd.f32 $1.000000000e+00, v46;
	v53 =	vadd.f32 v39, v10;
	(erf) = vrcp.f32 v45;
	v45 =	vpop (erf)  }
0xd3: {  	v49 =	vadd.f32 $1.000000000e+00, v49;
	v54 =	vadd.f32 v39, v11;
	v52 =	vmin.f32 v52, $8.500000000e+01  }
0xd4: {  	v53 =	vmin.f32 v53, $8.500000000e+01;
	v55 =	vmul.f32 v42, v40;
	v52 =	vmul.f32 $1.442695020e+00, v52  }
0xd5: {  	v56 =	vadd.f32 v39, v12;
	v54 =	vmin.f32 v54, $8.500000000e+01;
	v42 =	vld [tilespmem:s23+$0x2800];
	(erf) = vrcp.f32 v46  }
0xd6: {  	v46 =	vmul.f32 $1.442695020e+00, v53;
	v53 =	vadd.f32 $2.548295860e-01, v55;
	v55 =	vsub.f32 $0.0e+00, v51  }
0xd7: {  	v57 =	vadd.f32 v39, v13;
	v54 =	vmul.f32 $1.442695020e+00, v54;
	(erf) = vrcp.f32 v41  }
0xd8: {  	v41 =	vmin.f32 v56, $8.500000000e+01;
	v56 =	vadd.f32 v39, v18;
	v40 =	vmul.f32 v53, v40  }
0xd9: {  	v53 =	vmin.f32 v57, $8.500000000e+01;
	v57 =	vadd.f32 v39, v14;
	(erf) = vpow2.f32 v44  }
0xda: {  	v43 =	vadd.f32 v43, v47;
	v41 =	vmul.f32 $1.442695020e+00, v41;
	v40 =	vmul.f32 v40, v45  }
0xdb: {  	v44 =	vmin.f32 v57, $8.500000000e+01;
	v45 =	vadd.f32 v39, v16;
	(erf) = vpow2.f32 v52;
	v47 =	vpop (erf)  }
0xdc: {  	v57 =	vadd.f32 v39, v17;
	v52 =	vmul.f32 $1.442695020e+00, v53;
	v40 =	vsub.f32 $1.000000000e+00, v40  }
0xdd: {  	v45 =	vmin.f32 v45, $8.500000000e+01;
	(erf) = vpow2.f32 v46;
	v46 =	vsel vm1, v55, v51  }
0xde: {  	v45 =	vmul.f32 $1.442695020e+00, v45;
	v51 =	vmin.f32 v57, $8.500000000e+01;
	v55 =	vsub.f32 $0.0e+00, v40;
	v53 =	vpop (erf)  }
0xdf: {  	v57 =	vmin.f32 v56, $8.500000000e+01;
	v51 =	vmul.f32 $1.442695020e+00, v51;
	(erf) = vrcp.f32 v49  }
0xe0: {  	v49 =	vmul.f32 $1.442695020e+00, v57;
	v40 =	vsel vm0, v55, v40;
	v56 =	vpop (erf);
	(erf) = vrcp.f32 v48  }
0xe1: {  	v44 =	vmul.f32 $1.442695020e+00, v44;
	v48 =	vadd.f32 v39, v19;
	v40 =	vsub.f32 v40, v46  }
0xe2: {  	v43 =	vadd.f32 v43, v50;
	v46 =	vadd.f32 v39, v20;
	(erf) = vpow2.f32 v54;
	v50 =	vpop (erf)  }
0xe3: {  	v48 =	vmin.f32 v48, $8.500000000e+01;
	v40 =	vmul.f32 $5.000000000e-01, v40;
	(erf) = vpow2.f32 v52  }
0xe4: {  	v46 =	vmin.f32 v46, $8.500000000e+01;
	v48 =	vmul.f32 $1.442695020e+00, v48;
	v52 =	vpop (erf);
	(erf) = vpow2.f32 v49  }
0xe5: {  	v40 =	vmax.f32 v40, $9.999999710e-10;
	(erf) = vpow2.f32 v45;
	v45 =	vadd.f32 $1.000000000e+00, v50  }
0xe6: {  	v47 =	vmul.f32 v47, v1;
	v49 =	vadd.f32 $1.000000000e+00, v52;
	v50 =	vpop (erf);
	(erf) = vpow2.f32 v48;
	[tilespmem:s19+$0x7000] =	vst v40;
	s19 =	smov.u32 s20;
	s20 =	smov.u32 s21;
	s21 =	smov.u32 s23  }
0xe7: {  	v54 =	vmul.f32 v56, v5;
	v40 =	vadd.f32 v39, v23;
	(erf) = vrcp.f32 v45  }
0xe8: {  	v45 =	vmul.f32 $1.442695020e+00, v46;
	v46 =	vadd.f32 v39, v21;
	(erf) = vrcp.f32 v49;
	v52 =	vpop (erf)  }
0xe9: {  	v43 =	vadd.f32 v43, v54;
	v40 =	vmin.f32 v40, $8.500000000e+01;
	(erf) = vpow2.f32 v51;
	v48 =	vpop (erf)  }
0xea: {  	v51 =	vadd.f32 $1.000000000e+00, v50;
	(erf) = vpow2.f32 v41;
	v41 =	vmul.f32 $1.061405420e+00, v52  }
0xeb: {  	v35 =	vadd.f32 v43, v35;
	v43 =	vmul.f32 v32, v32;
	v50 =	vpop (erf);
	(erf) = vpow2.f32 v44  }
0xec: {  	v54 =	vadd.f32 $1.000000000e+00, v50;
	(erf) = vrcp.f32 v51;
	v49 =	vpop (erf);
	v41 =	vadd.f32 $-1.453152060e+00, v41  }
0xed: {  	v35 =	vadd.f32 v35, v37;
	v37 =	vmul.f32 v48, v2;
	v49 =	vadd.f32 $1.000000000e+00, v49;
	v50 =	vpop (erf)  }
0xee: {  	v48 =	vadd.f32 v39, v22;
	(erf) = vrcp.f32 v54;
	v44 =	vpop (erf);
	v55 =	vmul.f32 v41, v52  }
0xef: {  	v35 =	vadd.f32 v35, v33;
	v51 =	vadd.f32 $1.000000000e+00, v44;
	v44 =	vmin.f32 v46, $8.500000000e+01;
	v46 =	vpop (erf)  }
0xf0: {  	v33 =	vmul.f32 v36, v34;
	v48 =	vmin.f32 v48, $8.500000000e+01;
	v54 =	vpop (erf);
	v34 =	vadd.f32 $1.421413780e+00, v55  }
0xf1: {  	v48 =	vmul.f32 $1.442695020e+00, v48;
	v36 =	vadd.f32 $1.000000000e+00, v50;
	v50 =	vmul.f32 v53, v3;
	v41 =	vpop (erf)  }
0xf2: {  	v41 =	vmul.f32 v41, v25;
	v53 =	vpop (erf);
	(erf) = vpow2.f32 v45;
	v45 =	vand.u32 $0x7FFFFFFF, v33  }
0xf3: {  	v43 =	vsub.f32 $0.0e+00, v43;
	v55 =	vpop (erf);
	(erf) = vrcp.f32 v36;
	v36 =	vmul.f32 $3.275910910e-01, v45  }
0xf4: {  	v58 =	vadd.f32 $1.000000000e+00, v46;
	v35 =	vadd.f32 v35, v50;
	v50 =	vmul.f32 v33, v33;
	v46 =	vpop (erf)  }
0xf5: {  	v57 =	vmul.f32 $1.442695020e+00, v43;
	v44 =	vmul.f32 $1.442695020e+00, v44;
	v56 =	vpop (erf);
	v36 =	vadd.f32 $1.000000000e+00, v36  }
0xf6: {  	v43 =	vadd.f32 v41, v30;
	v46 =	vadd.f32 $1.000000000e+00, v46;
	(erf) = vrcp.f32 v58  }
0xf7: {  	v35 =	vadd.f32 v35, v37;
	v41 =	vadd.f32 $1.000000000e+00, v53;
	v45 =	vpop (erf);
	(erf) = vrcp.f32 v36  }
0xf8: {  	v37 =	vmul.f32 $1.442695020e+00, v40;
	v53 =	vadd.f32 $1.000000000e+00, v55;
	(erf) = vpow2.f32 v44  }
0xf9: {  	v40 =	vmul.f32 v56, v26;
	(erf) = vrcp.f32 v46;
	v46 =	vadd.f32 v35, v47  }
0xfa: {  	v44 =	vmul.f32 v45, v27;
	v35 =	vsub.f32 $0.0e+00, v50;
	(erf) = vpow2.f32 v48  }
0xfb: {  	v34 =	vmul.f32 v34, v52;
	v45 =	vadd.f32 v43, v40;
	(erf) = vrcp.f32 v53;
	v36 =	vpop (erf)  }
0xfc: {  	v40 =	vmax.f32 v42, $1.099999990e-01;
	v47 =	vmul.f32 $1.442695020e+00, v35;
	v42 =	vpop (erf);
	(erf) = vpow2.f32 v37  }
0xfd: {  	v34 =	vadd.f32 $-2.844967250e-01, v34;
	v35 =	vmul.f32 v42, v28;
	(erf) = vrcp.f32 v49  }
0xfe: {  	v49 =	vmul.f32 v54, v0;
	(erf) = vrcp.f32 v40  }
.Ltmp0:
0xff: {  	v48 =	vmul.f32 v34, v52;
	v36 =	vadd.f32 $1.000000000e+00, v36;
	v37 =	vpop (erf);
	v43 =	vld [tilespmem:s20+$0x4000];
	(erf) = vpow2.f32 v57;
	(pc) =	sbr.rel @p0 .LBB2_2-.Ltmp0, $4  }
0x100: {  	v34 =	vmul.f32 $7.071067690e-01, v38;
	v42 =	vadd.f32 v46, v49;
	v37 =	vmul.f32 v37, v29;
	v40 =	vpop (erf)  }
0x101: {  	v53 =	vadd.f32 $2.548295860e-01, v48;
	(erf) = vrcp.f32 v51;
	v46 =	vpop (erf);
	v38 =	vmul.f32 $1.061405420e+00, v40  }
0x102: {  	v49 =	vadd.f32 v39, v24;
	v50 =	vpop (erf);
	(erf) = vrcp.f32 v36;
	v36 =	vsub.f32 $5.000000000e-01, v42  }
0x103: {  	v39 =	vmul.f32 v53, v52;
	v51 =	vsub.f32 $-5.000000000e-01, v42;
	v48 =	vpop (erf);
	v38 =	vadd.f32 $-1.453152060e+00, v38  }
0x104: {  	v8 =	vpop (erf)  }
0x105: {  	v10 =	vpop (erf)  }
0x106: {  	v10 =	vadd.f32 $1.000000000e+00, v10  }
0x107: {  	(erf) = vpow2.f32 v47;
	v11 =	vadd.f32 $1.000000000e+00, v46  }
0x108: {  	(erf) = vrcp.f32 v10  }
0x109: {  	v47 =	vmin.f32 v49, $8.500000000e+01;
	(erf) = vrcp.f32 v11  }
0x10a: {  	v10 =	vmul.f32 $1.442695020e+00, v47;
	(erf) = vrcp.f32 v41  }
0x10b: {  	v12 =	vmul.f32 v8, v15;
	v49 =	vpop (erf)  }
0x10c: {  	v13 =	vadd.f32 v45, v44;
	v8 =	vmul.f32 v51, v34;
	v14 =	vpop (erf);
	(erf) = vpow2.f32 v10  }
0x10d: {  	v51 =	vpop (erf)  }
0x10e: {  	v9 =	vmul.f32 v49, v9;
	v52 =	vadd.f32 v13, v12;
	v53 =	vand.u32 $0x7FFFFFFF, v8;
	v54 =	vpop (erf)  }
0x10f: {  	v12 =	vmul.f32 $3.275910910e-01, v53;
	v55 =	vpop (erf)  }
0x110: {  	v7 =	vmul.f32 v50, v7;
	v9 =	vadd.f32 v52, v9;
	v56 =	vpop (erf)  }
0x111: {  	v12 =	vadd.f32 $1.000000000e+00, v12;
	v16 =	vpop (erf)  }
0x112: {  	v17 =	vadd.f32 $1.000000000e+00, v48;
	v6 =	vmul.f32 v54, v6;
	v7 =	vadd.f32 v9, v7;
	v57 =	vpop (erf)  }
0x113: {  	(erf) = vrcp.f32 v12;
	v58 =	vpop (erf)  }
0x114: {  	(erf) = vrcp.f32 v17;
	v6 =	vadd.f32 v7, v6;
	v5 =	vmul.f32 v58, v5  }
0x115: {  	v59 =	vpop (erf)  }
0x116: {  	v7 =	vadd.f32 $1.000000000e+00, v59;
	v5 =	vadd.f32 v6, v5;
	_ =	sdelay $0x1  }
0x117: {  	(erf) = vrcp.f32 v7;
	v5 =	vadd.f32 v5, v35;
	_ =	sdelay $0x1  }
0x118: {  	v4 =	vmul.f32 v55, v4;
	v5 =	vadd.f32 v5, v37;
	_ =	sdelay $0x1  }
0x119: {  	v3 =	vmul.f32 v57, v3;
	v60 =	vpop (erf);
	v4 =	vadd.f32 v5, v4  }
0x11a: {  	v61 =	vpop (erf)  }
0x11b: {  	v2 =	vmul.f32 v61, v2;
	v3 =	vadd.f32 v4, v3;
	_ =	sdelay $0x1  }
0x11c: {  	v1 =	vmul.f32 v16, v1;
	v2 =	vadd.f32 v3, v2  }
0x11d: {  	v62 =	vpop (erf)  }
0x11e: {  	v0 =	vmul.f32 v62, v0;
	v1 =	vadd.f32 v2, v1;
	_ =	sdelay $0x1  }
0x11f: {  	v63 =	vmul.f32 v36, v34;
	v0 =	vadd.f32 v1, v0;
	_ =	sdelay $0x1  }
0x120: {  	v19 =	vmul.f32 v63, v63;
	v16 =	vmul.f32 $7.071067690e-01, v14;
	v17 =	vsub.f32 $-5.000000000e-01, v0  }
0x121: {  	v15 =	vand.u32 $0x7FFFFFFF, v63;
	v13 =	vmul.f32 v8, v8;
	v18 =	vsub.f32 $5.000000000e-01, v0  }
0x122: {  	v21 =	vsub.f32 $0.0e+00, v19;
	v3 =	vmul.f32 $3.275910910e-01, v15;
	v5 =	vmul.f32 v17, v16  }
0x123: {  	v1 =	vsub.f32 $0.0e+00, v13;
	v4 =	vmul.f32 v18, v16  }
0x124: {  	v7 =	vmul.f32 $1.442695020e+00, v21;
	v3 =	vadd.f32 $1.000000000e+00, v3;
	v22 =	vand.u32 $0x7FFFFFFF, v5  }
0x125: {  	v1 =	vmul.f32 $1.442695020e+00, v1;
	v24 =	vand.u32 $0x7FFFFFFF, v4;
	v23 =	vmul.f32 $3.275910910e-01, v22  }
0x126: {  	(erf) = vrcp.f32 v3;
	v9 =	vmul.f32 $3.275910910e-01, v24  }
0x127: {  	v20 =	vmul.f32 v38, v40;
	(erf) = vpow2.f32 v1;
	v25 =	vadd.f32 $1.000000000e+00, v23  }
0x128: {  	(erf) = vpow2.f32 v7;
	v27 =	vadd.f32 $1.000000000e+00, v9  }
0x129: {  	v26 =	vadd.f32 $1.421413780e+00, v20;
	(erf) = vrcp.f32 v25  }
0x12a: {  	(erf) = vrcp.f32 v27  }
0x12b: {  	v28 =	vmul.f32 v26, v40;
	_ =	sdelay $0x1  }
0x12c: {  	v1 =	vadd.f32 $-2.844967250e-01, v28;
	_ =	sdelay $0x1  }
0x12d: {  	v1 =	vmul.f32 v1, v40;
	v29 =	vpop (erf)  }
0x12e: {  	v41 =	vmul.f32 v5, v5;
	v30 =	vpop (erf)  }
0x12f: {  	vm0 =	vlt.f32 v32, $0.0e+00;
	v18 =	vmul.f32 v4, v4;
	v1 =	vadd.f32 $2.548295860e-01, v1;
	v34 =	vpop (erf)  }
0x130: {  	v10 =	vmul.f32 v39, v51;
	v31 =	vmul.f32 $1.061405420e+00, v60;
	v17 =	vsub.f32 $0.0e+00, v41;
	v36 =	vpop (erf)  }
0x131: {  	v18 =	vsub.f32 $0.0e+00, v18;
	v1 =	vmul.f32 v1, v40;
	v35 =	vmul.f32 $1.061405420e+00, v29;
	v38 =	vpop (erf)  }
0x132: {  	v9 =	vadd.f32 $-1.453152060e+00, v31;
	v37 =	vmul.f32 $1.061405420e+00, v36;
	v40 =	vmul.f32 $1.061405420e+00, v38  }
0x133: {  	v17 =	vmul.f32 $1.442695020e+00, v17;
	v18 =	vmul.f32 $1.442695020e+00, v18;
	v39 =	vadd.f32 $-1.453152060e+00, v35  }
0x134: {  	v9 =	vmul.f32 v9, v60;
	v15 =	vadd.f32 $-1.453152060e+00, v37;
	v13 =	vadd.f32 $-1.453152060e+00, v40  }
0x135: {  	v10 =	vsub.f32 $1.000000000e+00, v10;
	v1 =	vmul.f32 v1, v56;
	v11 =	vmul.f32 v39, v29  }
0x136: {  	v9 =	vadd.f32 $1.421413780e+00, v9;
	v15 =	vmul.f32 v15, v36;
	v13 =	vmul.f32 v13, v38  }
0x137: {  	(erf) = vpow2.f32 v17;
	v1 =	vsub.f32 $1.000000000e+00, v1;
	v11 =	vadd.f32 $1.421413780e+00, v11  }
0x138: {  	(erf) = vpow2.f32 v18;
	v15 =	vadd.f32 $1.421413780e+00, v15;
	v13 =	vadd.f32 $1.421413780e+00, v13  }
0x139: {  	v44 =	vsub.f32 $0.0e+00, v10;
	v9 =	vmul.f32 v9, v60;
	v11 =	vmul.f32 v11, v29  }
0x13a: {  	v45 =	vsub.f32 $0.0e+00, v1;
	v15 =	vmul.f32 v15, v36;
	v13 =	vmul.f32 v13, v38  }
0x13b: {  	vm1 =	vlt.f32 v33, $0.0e+00;
	v9 =	vadd.f32 $-2.844967250e-01, v9;
	v11 =	vadd.f32 $-2.844967250e-01, v11  }
0x13c: {  	v10 =	vsel vm0, v44, v10;
	v15 =	vadd.f32 $-2.844967250e-01, v15;
	v13 =	vadd.f32 $-2.844967250e-01, v13  }
0x13d: {  	v1 =	vsel vm1, v45, v1;
	v9 =	vmul.f32 v9, v60;
	v11 =	vmul.f32 v11, v29  }
0x13e: {  	v1 =	vsub.f32 v1, v10;
	v15 =	vmul.f32 v15, v36;
	v13 =	vmul.f32 v13, v38  }
0x13f: {  	v9 =	vadd.f32 $2.548295860e-01, v9;
	v46 =	vadd.f32 $2.548295860e-01, v11  }
0x140: {  	v1 =	vmul.f32 $5.000000000e-01, v1;
	v47 =	vadd.f32 $2.548295860e-01, v15;
	v13 =	vadd.f32 $2.548295860e-01, v13  }
0x141: {  	v6 =	vmul.f32 v9, v60;
	v3 =	vmul.f32 v46, v29  }
0x142: {  	v50 =	vpop (erf);
	v49 =	vmul.f32 v47, v36;
	v51 =	vmul.f32 v13, v38  }
0x143: {  	v48 =	vadd.f32 v42, v43;
	v52 =	vpop (erf);
	v6 =	vmul.f32 v6, v30;
	v3 =	vmul.f32 v3, v34  }
0x144: {  	v9 =	vmul.f32 v49, v50;
	v53 =	vmul.f32 v51, v52  }
0x145: {  	[tilespmem:s20+$0x5800] =	vst v48;
	v1 =	vmax.f32 v1, $9.999999710e-10;
	v6 =	vsub.f32 $1.000000000e+00, v6;
	v3 =	vsub.f32 $1.000000000e+00, v3  }
0x146: {  	vm13 =	vlt.f32 v63, $0.0e+00;
	[tilespmem:s19+$0x7000] =	vst v1;
	v55 =	vsub.f32 $1.000000000e+00, v9;
	v56 =	vsub.f32 $1.000000000e+00, v53  }
0x147: {  	vm12 =	vlt.f32 v8, $0.0e+00;
	v57 =	vld [tilespmem:s21+$0x4000];
	v54 =	vsub.f32 $0.0e+00, v6;
	v58 =	vsub.f32 $0.0e+00, v3  }
0x148: {  	vm14 =	vlt.f32 v5, $0.0e+00;
	v59 =	vsub.f32 $0.0e+00, v55;
	v60 =	vsub.f32 $0.0e+00, v56  }
0x149: {  	vm15 =	vlt.f32 v4, $0.0e+00;
	v6 =	vsel vm12, v54, v6;
	v2 =	vsel vm13, v58, v3  }
0x14a: {  	v2 =	vsub.f32 v2, v6;
	v1 =	vsel vm14, v59, v55;
	v61 =	vsel vm15, v60, v56  }
0x14b: {  	v1 =	vsub.f32 v61, v1  }
0x14c: {  	v0 =	vadd.f32 v0, v57;
	v2 =	vmul.f32 $5.000000000e-01, v2  }
0x14d: {  	v1 =	vmul.f32 $5.000000000e-01, v1  }
0x14e: {  	[tilespmem:s21+$0x5800] =	vst v0;
	v62 =	vmax.f32 v2, $9.999999710e-10  }
0x14f: {  	[tilespmem:s20+$0x7000] =	vst v62;
	v63 =	vmax.f32 v1, $9.999999710e-10  }
0x150: {  	[tilespmem:s21+$0x7000] =	vst v63  }
0x151: {  	[hbm4b:s8+s2] =	stream.linear.scatter [tilespmem:s16], [sflag:$0x1], $0x1800, $0x38;
	[tilespmem:$0x8800] =	vst v63  }
0x152: {  	s18 =	sadd.s32 $0x1, s18;
	_ =	swait.ge [sflag:s11], $0x1800  }
0x153: {  	p0 =	sne.s32 s18, s10;
	[sflag:s11] =	ssyncset.done $0x0  }
.Ltmp1:
0x154: {  	[sflag:s11] =	ssyncadd.s32 $0xFFFFE800;
	(pc) =	sbr.rel @p0 .LBB2_1-.Ltmp1, $4  }
0x155: {  	[hbm4b:s9+s2] =	stream.linear.scatter [tilespmem:s17], [sflag:$0x1], $0x1800, $0x38;
	[tilespmem:$0x8800] =	vst v63  }
0x156: {  	_ =	swait.ge [sflag:s11], $0x1800  }
0x157: {  	[sflag:s11] =	ssyncset.done $0x0  }
0x158: {  	[sflag:s11] =	ssyncadd.s32 $0xFFFFE800  }
0x159: {  	_ =	sfence.sel $0x180000  }
0x15a: {  	[bflag:$0x0] =	sbarrier.arrive $0xFFFF  }
0x15b: {  	p0 =	sne.s32 s0, $0x0;
	_ =	strace $0x90000047  }
0x15c: {  	s0 =	sadd.s32 @!p0 $0x100000, s1;
	[bflag:$0x2] =	sbarrier.arrive $0xFFFF  }
0x15d: {  	[sflag:s0] =	ssyncadd.tile.s32 @!p0 $0x1;
	_ =	shalt  }
.Lfunc_end2:
_tile_overlayer_lowered:
.L_overlay_start_2:
0x15e: {  	(tag) =	ssettag $0x2  }
0x15f: {  	s0 =	rddreg [dreg:$0x0];
	s2 =	stileid.u32  }
0x160: {  	s1 =	rddreg [dreg:$0x1];
	p0 =	sne.s32 s2, $0x0  }
0x161: {  	s3 =	rddreg [dreg:$0x2];
	[bflag:$0x3] =	sbarrier.arrive $0xFFFF;
	s2 =	simm.s32 @!p0 $0x1C01  }
0x162: {  	[timem:s3], [sflag:s2] =	dma.local @!p0 [hbm:s0], s1  }
0x163: {  	s0 =	simm.s32 @!p0 $0x1  }
0x164: {  	_ =	swait.ge @!p0 [sflag:s0], s1  }
0x165: {  	s1 =	ssub.s32 @!p0 $0x0, s1;
	[sflag:s0] =	ssyncset.done @!p0 $0x0  }
0x166: {  	[sflag:s0] =	ssyncadd.s32 @!p0 s1  }
0x167: {  	[bflag:$0x3] =	sbarrier.arrive $0xFFFF  }
0x168: {  	_ =	shalt  }

</sc_bundles>
